<compile_context>
chip_gen: v7x
topology: tpu7x:2x2x1
jax: 0.10.2.dev20260603
libtpu: 0.0.44.dev20260713+nightly
codegen_flags: <defaults>
</compile_context>

<pallas_src>
import functools

import jax
import jax.numpy as jnp
from jax import lax
from jax.experimental import pallas as pl
from jax.experimental.pallas import tpu as pltpu
from jax.experimental.pallas import tpu_sc as plsc

_L = 16
_N = 4
_E = 10

_O_X = 0
_O_W1C0 = 16
_O_W1C1 = 32
_O_B1 = 48
_O_ATT1 = 64
_O_BIAS1 = 72
_O_WL2 = 80
_O_WR2 = 96
_O_BL2 = 112
_O_BR2 = 114
_O_ATT2 = 116
_O_BIAS2 = 118
_O_SRC = 128
_O_DST = 144
_P_LEN = 160

_NEG = -1e30


def _lrelu(v):
    return jnp.where(v > 0.0, v, 0.2 * v)


_MAGIC = 12582912.0
_LOG2E = 1.4426950408889634
_LN2_HI = 0.693359375
_LN2_LO = -2.12194440e-4


def _exp(x):
    x = jnp.minimum(jnp.maximum(x, -87.0), 88.0)
    t = x * _LOG2E
    kf = (t + _MAGIC) - _MAGIC
    r = (x - kf * _LN2_HI) - kf * _LN2_LO
    p = 1.0 / 720.0
    for c in (1.0 / 120.0, 1.0 / 24.0, 1.0 / 6.0, 0.5, 1.0, 1.0):
        p = p * r + c
    ki = kf.astype(jnp.int32)
    scale = plsc.bitcast(lax.shift_left(ki + 127, 23), jnp.float32)
    return p * scale


def _div(num, den):
    q = 1.0 / den
    q = q * (2.0 - den * q)
    return num * q


def _bf16_round(v):
    u = plsc.bitcast(v, jnp.int32)
    u = u + 0x7FFF + (lax.shift_right_logical(u, 16) & 1)
    u = u & -65536
    return plsc.bitcast(u, jnp.float32)


@functools.cache
def _build_sc_gnn():
    return functools.partial(
        pl.kernel,
        out_type=jax.ShapeDtypeStruct((_N, 2), jnp.float32),
        mesh=plsc.VectorSubcoreMesh(
            core_axis_name="c", subcore_axis_name="s", num_cores=1, num_subcores=1
        ),
        scratch_types=[
            pltpu.VMEM((_P_LEN,), jnp.float32),
            pltpu.VMEM((16, _L), jnp.float32),
            pltpu.VMEM((16, _L), jnp.float32),
            pltpu.VMEM((_N, 2), jnp.float32),
        ],
        compiler_params=pltpu.CompilerParams(needs_layout_passes=False),
    )(_sc_gnn_body)


def _sc_gnn_body(par_hbm, out_hbm, par_v, feat_v, seg_v, out_v):
    cid = lax.axis_index("c")
    sid = lax.axis_index("s")

    @pl.when(jnp.logical_and(cid == 0, sid == 0))
    def _body():
        pltpu.sync_copy(par_hbm, par_v)

        lane = lax.iota(jnp.int32, _L)
        valid = lane < _E
        zeros = jnp.zeros((_L,), jnp.float32)

        chunks = [par_v[pl.ds(16 * j, 16)] for j in range(_P_LEN // 16)]
        for j in (0, 1, 2, 5, 6):
            chunks[j] = _bf16_round(chunks[j])

        def p(i):
            return chunks[i // 16][i % 16]

        def splat(i):
            return jnp.full((_L,), i, jnp.int32)

        src = plsc.bitcast(chunks[_O_SRC // 16], jnp.int32)
        dst = plsc.bitcast(chunks[_O_DST // 16], jnp.int32)
        w1c0 = chunks[_O_W1C0 // 16]
        w1c1 = chunks[_O_W1C1 // 16]
        b1 = chunks[_O_B1 // 16]

        for n in range(_N):
            feat_v[n, :] = p(_O_X + 2 * n) * w1c0 + p(_O_X + 2 * n + 1) * w1c1 + b1
        feat_v[15, :] = zeros

        xj = [plsc.load_gather(feat_v, [src, splat(c)]) for c in range(8)]
        xi = [plsc.load_gather(feat_v, [dst, splat(8 + c)]) for c in range(8)]
        e1 = [_lrelu(xi[c] + xj[c]) for c in range(8)]
        alpha = []
        for h in range(2):
            a = e1[4 * h] * p(_O_ATT1 + 4 * h)
            for c in range(1, 4):
                a = a + e1[4 * h + c] * p(_O_ATT1 + 4 * h + c)
            alpha.append(jnp.where(valid, a, _NEG))

        for r in range(13):
            seg_v[r, :] = zeros
        coef = []
        for h in range(2):
            ex = _exp(alpha[h] - jnp.max(alpha[h]))
            plsc.addupdate_scatter(seg_v, [splat(h), dst], ex)
            den = plsc.load_gather(seg_v, [splat(h), dst])
            coef.append(_div(ex, den + 1e-16))
        for k in range(8):
            plsc.addupdate_scatter(seg_v, [splat(2 + k), dst], coef[k // 4] * xj[k])

        hr = []
        for k in range(8):
            v = seg_v[2 + k, :] + p(_O_BIAS1 + k)
            v = jnp.where(v > 0.0, v, _exp(v) - 1.0)
            hr.append(_bf16_round(v))

        for k in range(2):
            al = hr[0] * p(_O_WL2 + 8 * k)
            ar = hr[0] * p(_O_WR2 + 8 * k)
            for c in range(1, 8):
                al = al + hr[c] * p(_O_WL2 + 8 * k + c)
                ar = ar + hr[c] * p(_O_WR2 + 8 * k + c)
            feat_v[4 + k, :] = al + p(_O_BL2 + k)
            feat_v[6 + k, :] = ar + p(_O_BR2 + k)

        xj2 = [plsc.load_gather(feat_v, [splat(4 + k), src]) for k in range(2)]
        xi2 = [plsc.load_gather(feat_v, [splat(6 + k), dst]) for k in range(2)]
        e2 = [_lrelu(xi2[k] + xj2[k]) for k in range(2)]
        alpha2 = jnp.where(
            valid, e2[0] * p(_O_ATT2) + e2[1] * p(_O_ATT2 + 1), _NEG
        )
        ex2 = _exp(alpha2 - jnp.max(alpha2))
        plsc.addupdate_scatter(seg_v, [splat(10), dst], ex2)
        den2 = plsc.load_gather(seg_v, [splat(10), dst])
        coef2 = _div(ex2, den2 + 1e-16)
        for k in range(2):
            plsc.addupdate_scatter(seg_v, [splat(11 + k), dst], coef2 * xj2[k])

        nmask = lane < _N
        for k in range(2):
            col = seg_v[11 + k, :] + p(_O_BIAS2 + k)
            plsc.store_scatter(out_v, [lane & 3, splat(k)], col, mask=nmask)
        pltpu.sync_copy(out_v, out_hbm)


def kernel(x, edge_index, Wl1, bl1, Wr1, br1, att1, bias1, Wl2, bl2, Wr2, br2, att2, bias2):
    loop = jnp.arange(_N, dtype=edge_index.dtype)
    src = jnp.concatenate([edge_index[0], loop, jnp.zeros((_L - _E,), edge_index.dtype)])
    dst = jnp.concatenate([edge_index[1], loop, jnp.full((_L - _E,), _L - 1, edge_index.dtype)])
    f32 = jnp.float32
    params = jnp.concatenate([
        x.ravel(), jnp.zeros((8,), f32),
        Wl1[:, 0], Wr1[:, 0],
        Wl1[:, 1], Wr1[:, 1],
        bl1, br1,
        att1.ravel(), bias1,
        Wl2.ravel(), Wr2.ravel(),
        bl2, br2, att2.ravel(), bias2, jnp.zeros((8,), f32),
        lax.bitcast_convert_type(src.astype(jnp.int32), f32),
        lax.bitcast_convert_type(dst.astype(jnp.int32), f32),
    ])
    return _build_sc_gnn()(params)

# --- scband reference (transcript-rebuilt; emitter-appended) ---
"""Pipeline reference for scband-small-gnn-11020886081645 (READ-ONLY COPY).

The authoritative reference and input builder live on the scoring server;
editing this copy changes nothing except your own understanding.
"""

import jax, jax.numpy as jnp
import numpy as np


def _gatv2(x, edge_index, Wl, bl, Wr, br, att, bias, heads, out_ch, concat):
    # Faithful GATv2Conv (PyG semantics): separate lin_l (source) / lin_r (target),
    # add self-loops (default add_self_loops=True), leaky_relu(0.2) attention,
    # softmax over incoming edges per target node, sum aggregation, output bias.
    N = x.shape[0]
    loop = jnp.arange(N, dtype=edge_index.dtype)
    src = jnp.concatenate([edge_index[0], loop])
    dst = jnp.concatenate([edge_index[1], loop])
    xl = (x @ Wl.T + bl).reshape(N, heads, out_ch)  # source transform
    xr = (x @ Wr.T + br).reshape(N, heads, out_ch)  # target transform
    x_j = xl[src]          # [E, H, C] gathered source features
    x_i = xr[dst]          # [E, H, C] gathered target features
    e = jax.nn.leaky_relu(x_i + x_j, negative_slope=0.2)
    alpha = (e * att[None]).sum(-1)  # [E, H]
    amax = jax.ops.segment_max(alpha, dst, num_segments=N)
    ex = jnp.exp(alpha - amax[dst])
    den = jax.ops.segment_sum(ex, dst, num_segments=N)
    a = ex / (den[dst] + 1e-16)
    out = jax.ops.segment_sum(x_j * a[:, :, None], dst, num_segments=N)
    if concat:
        out = out.reshape(N, heads * out_ch)
    else:
        out = out.mean(axis=1)
    return out + bias


def setup_inputs(seed: int = 0) -> dict:
    key = jax.random.key(seed)
    ks = jax.random.split(key, 16)
    inp = {}
    inp["x"] = jax.random.normal(ks[0], (4, 2), dtype=jnp.float32)
    # buffer hardcoded in __init__
    inp["edge_index"] = jnp.array([[0, 1, 2, 3, 0, 2], [1, 0, 3, 2, 2, 0]], dtype=jnp.int32)
    # conv1: GATv2Conv(2, 4, heads=2, concat=True)
    inp["Wl1"] = jax.random.normal(ks[1], (8, 2), dtype=jnp.float32) * 0.5
    inp["bl1"] = jnp.zeros((8,), dtype=jnp.float32)
    inp["Wr1"] = jax.random.normal(ks[2], (8, 2), dtype=jnp.float32) * 0.5
    inp["br1"] = jnp.zeros((8,), dtype=jnp.float32)
    inp["att1"] = jax.random.normal(ks[3], (2, 4), dtype=jnp.float32) * 0.5
    inp["bias1"] = jnp.zeros((8,), dtype=jnp.float32)
    # conv2: GATv2Conv(8, 2, heads=1, concat=False)
    inp["Wl2"] = jax.random.normal(ks[4], (2, 8), dtype=jnp.float32) * 0.5
    inp["bl2"] = jnp.zeros((2,), dtype=jnp.float32)
    inp["Wr2"] = jax.random.normal(ks[5], (2, 8), dtype=jnp.float32) * 0.5
    inp["br2"] = jnp.zeros((2,), dtype=jnp.float32)
    inp["att2"] = jax.random.normal(ks[6], (1, 2), dtype=jnp.float32) * 0.5
    inp["bias2"] = jnp.zeros((2,), dtype=jnp.float32)
    return inp


def reference(x, edge_index, Wl1, bl1, Wr1, br1, att1, bias1, Wl2, bl2, Wr2, br2, att2, bias2):
    h = _gatv2(x, edge_index, Wl1, bl1, Wr1, br1, att1, bias1, heads=2, out_ch=4, concat=True)
    h = jax.nn.elu(h)
    out = _gatv2(h, edge_index, Wl2, bl2, Wr2, br2, att2, bias2, heads=1, out_ch=2, concat=False)
    return out

if __name__ == "__main__":
    import jax
    _d = setup_inputs()
    print(jax.jit(kernel)(*tuple(_d.values())))

</pallas_src>

<mosaic_0001>
#map = affine_map<(d0, d1) -> (0)>
#map1 = affine_map<(d0, d1) -> (0, 0)>
module attributes {stable_mosaic.version = 14 : i64} {
  func.func @_sc_gnn_body(%arg0: i32, %arg1: i32, %arg2: memref<160xf32, #tpu.memory_space<hbm>>, %arg3: memref<4x2xf32, #tpu.memory_space<hbm>>, %arg4: memref<160xf32, #tpu.memory_space<vmem>>, %arg5: memref<16x16xf32, #tpu.memory_space<vmem>>, %arg6: memref<16x16xf32, #tpu.memory_space<vmem>>, %arg7: memref<4x2xf32, #tpu.memory_space<vmem>>) attributes {dimension_semantics = [#tpu.dimension_semantics<core_parallel>, #tpu.dimension_semantics<subcore_parallel>], iteration_bounds = array<i64: 1, 1>, scalar_prefetch = 0 : i64, scratch_operands = 4 : i64, tpu.core_type = #tpu.core_type<sc_vector_subcore>, window_params = [{transform_indices = #map}, {transform_indices = #map1}]} {
    %eq3A = arith.constant 0 : i32
    %eq3A_0 = arith.cmpi eq, %arg0, %eq3A : i32
    %eq3A_1 = arith.constant 0 : i32
    %eq3A_2 = arith.cmpi eq, %arg1, %eq3A_1 : i32
    %and3A = arith.andi %eq3A_0, %eq3A_2 : i1
    %convert_element_type3A = arith.extui %and3A : i1 to i32
    %cond3A = arith.constant 0 : i32
    %cond3A_3 = arith.cmpi ne, %convert_element_type3A, %cond3A : i32
    scf.if %cond3A_3 {
      "tpu.region"() ({
        %run_scoped3A = tpu.sem_alloc : memref<!tpu.dma_semaphore, #tpu.memory_space<semaphore_mem>>
        tpu.enqueue_dma source(%arg2 : memref<160xf32, #tpu.memory_space<hbm>>) target(%arg4 : memref<160xf32, #tpu.memory_space<vmem>>) target_semaphore(%run_scoped3A : memref<!tpu.dma_semaphore, #tpu.memory_space<semaphore_mem>>)
        tpu.wait_dma2 semaphore(%run_scoped3A : memref<!tpu.dma_semaphore, #tpu.memory_space<semaphore_mem>>) src(%arg2 : memref<160xf32, #tpu.memory_space<hbm>>) dst(%arg4 : memref<160xf32, #tpu.memory_space<vmem>>)
        tpu.yield
      }) : () -> ()
      %iota3A = tpu.iota {dimensions = array<i32: 0>} : vector<16xi32>
      %lt3A = arith.constant 10 : i32
      %lt3A_4 = vector.broadcast %lt3A : i32 to vector<16xi32>
      %lt3A_5 = arith.cmpi slt, %iota3A, %lt3A_4 : vector<16xi32>
      %broadcast_in_dim3A = arith.constant 0.000000e+00 : f32
      %broadcast_in_dim3A_6 = vector.broadcast %broadcast_in_dim3A : f32 to vector<16xf32>
      %get3A = arith.constant 0 : index
      %get3A_7 = tpu.vector_load %arg4[%get3A] {strides = array<i32>} : memref<160xf32, #tpu.memory_space<vmem>>, vector<16xf32>,
      %get3A_8 = arith.constant 16 : index
      %get3A_9 = tpu.vector_load %arg4[%get3A_8] {strides = array<i32>} : memref<160xf32, #tpu.memory_space<vmem>>, vector<16xf32>,
      %get3A_10 = arith.constant 32 : index
      %get3A_11 = tpu.vector_load %arg4[%get3A_10] {strides = array<i32>} : memref<160xf32, #tpu.memory_space<vmem>>, vector<16xf32>,
      %get3A_12 = arith.constant 48 : index
      %get3A_13 = tpu.vector_load %arg4[%get3A_12] {strides = array<i32>} : memref<160xf32, #tpu.memory_space<vmem>>, vector<16xf32>,
      %get3A_14 = arith.constant 64 : index
      %get3A_15 = tpu.vector_load %arg4[%get3A_14] {strides = array<i32>} : memref<160xf32, #tpu.memory_space<vmem>>, vector<16xf32>,
      %get3A_16 = arith.constant 80 : index
      %get3A_17 = tpu.vector_load %arg4[%get3A_16] {strides = array<i32>} : memref<160xf32, #tpu.memory_space<vmem>>, vector<16xf32>,
      %get3A_18 = arith.constant 96 : index
      %get3A_19 = tpu.vector_load %arg4[%get3A_18] {strides = array<i32>} : memref<160xf32, #tpu.memory_space<vmem>>, vector<16xf32>,
      %get3A_20 = arith.constant 112 : index
      %get3A_21 = tpu.vector_load %arg4[%get3A_20] {strides = array<i32>} : memref<160xf32, #tpu.memory_space<vmem>>, vector<16xf32>,
      %get3A_22 = arith.constant 128 : index
      %get3A_23 = tpu.vector_load %arg4[%get3A_22] {strides = array<i32>} : memref<160xf32, #tpu.memory_space<vmem>>, vector<16xf32>,
      %get3A_24 = arith.constant 144 : index
      %get3A_25 = tpu.vector_load %arg4[%get3A_24] {strides = array<i32>} : memref<160xf32, #tpu.memory_space<vmem>>, vector<16xf32>,
      %bitcast3A = vector.bitcast %get3A_7 : vector<16xf32> to vector<16xi32>
      %add3A = arith.constant 32767 : i32
      %add3A_26 = vector.broadcast %add3A : i32 to vector<16xi32>
      %add3A_27 = arith.addi %bitcast3A, %add3A_26 : vector<16xi32>
      %shift_right_logical3A = arith.constant 16 : i32
      %shift_right_logical3A_28 = vector.broadcast %shift_right_logical3A : i32 to vector<16xi32>
      %shift_right_logical3A_29 = arith.shrui %bitcast3A, %shift_right_logical3A_28 : vector<16xi32>
      %and3A_30 = arith.constant 1 : i32
      %and3A_31 = vector.broadcast %and3A_30 : i32 to vector<16xi32>
      %and3A_32 = arith.andi %shift_right_logical3A_29, %and3A_31 : vector<16xi32>
      %add3A_33 = arith.addi %add3A_27, %and3A_32 : vector<16xi32>
      %and3A_34 = arith.constant -65536 : i32
      %and3A_35 = vector.broadcast %and3A_34 : i32 to vector<16xi32>
      %and3A_36 = arith.andi %add3A_33, %and3A_35 : vector<16xi32>
      %bitcast3A_37 = vector.bitcast %and3A_36 : vector<16xi32> to vector<16xf32>
      %bitcast3A_38 = vector.bitcast %get3A_9 : vector<16xf32> to vector<16xi32>
      %add3A_39 = arith.constant 32767 : i32
      %add3A_40 = vector.broadcast %add3A_39 : i32 to vector<16xi32>
      %add3A_41 = arith.addi %bitcast3A_38, %add3A_40 : vector<16xi32>
      %shift_right_logical3A_42 = arith.constant 16 : i32
      %shift_right_logical3A_43 = vector.broadcast %shift_right_logical3A_42 : i32 to vector<16xi32>
      %shift_right_logical3A_44 = arith.shrui %bitcast3A_38, %shift_right_logical3A_43 : vector<16xi32>
      %and3A_45 = arith.constant 1 : i32
      %and3A_46 = vector.broadcast %and3A_45 : i32 to vector<16xi32>
      %and3A_47 = arith.andi %shift_right_logical3A_44, %and3A_46 : vector<16xi32>
      %add3A_48 = arith.addi %add3A_41, %and3A_47 : vector<16xi32>
      %and3A_49 = arith.constant -65536 : i32
      %and3A_50 = vector.broadcast %and3A_49 : i32 to vector<16xi32>
      %and3A_51 = arith.andi %add3A_48, %and3A_50 : vector<16xi32>
      %bitcast3A_52 = vector.bitcast %and3A_51 : vector<16xi32> to vector<16xf32>
      %bitcast3A_53 = vector.bitcast %get3A_11 : vector<16xf32> to vector<16xi32>
      %add3A_54 = arith.constant 32767 : i32
      %add3A_55 = vector.broadcast %add3A_54 : i32 to vector<16xi32>
      %add3A_56 = arith.addi %bitcast3A_53, %add3A_55 : vector<16xi32>
      %shift_right_logical3A_57 = arith.constant 16 : i32
      %shift_right_logical3A_58 = vector.broadcast %shift_right_logical3A_57 : i32 to vector<16xi32>
      %shift_right_logical3A_59 = arith.shrui %bitcast3A_53, %shift_right_logical3A_58 : vector<16xi32>
      %and3A_60 = arith.constant 1 : i32
      %and3A_61 = vector.broadcast %and3A_60 : i32 to vector<16xi32>
      %and3A_62 = arith.andi %shift_right_logical3A_59, %and3A_61 : vector<16xi32>
      %add3A_63 = arith.addi %add3A_56, %and3A_62 : vector<16xi32>
      %and3A_64 = arith.constant -65536 : i32
      %and3A_65 = vector.broadcast %and3A_64 : i32 to vector<16xi32>
      %and3A_66 = arith.andi %add3A_63, %and3A_65 : vector<16xi32>
      %bitcast3A_67 = vector.bitcast %and3A_66 : vector<16xi32> to vector<16xf32>
      %bitcast3A_68 = vector.bitcast %get3A_17 : vector<16xf32> to vector<16xi32>
      %add3A_69 = arith.constant 32767 : i32
      %add3A_70 = vector.broadcast %add3A_69 : i32 to vector<16xi32>
      %add3A_71 = arith.addi %bitcast3A_68, %add3A_70 : vector<16xi32>
      %shift_right_logical3A_72 = arith.constant 16 : i32
      %shift_right_logical3A_73 = vector.broadcast %shift_right_logical3A_72 : i32 to vector<16xi32>
      %shift_right_logical3A_74 = arith.shrui %bitcast3A_68, %shift_right_logical3A_73 : vector<16xi32>
      %and3A_75 = arith.constant 1 : i32
      %and3A_76 = vector.broadcast %and3A_75 : i32 to vector<16xi32>
      %and3A_77 = arith.andi %shift_right_logical3A_74, %and3A_76 : vector<16xi32>
      %add3A_78 = arith.addi %add3A_71, %and3A_77 : vector<16xi32>
      %and3A_79 = arith.constant -65536 : i32
      %and3A_80 = vector.broadcast %and3A_79 : i32 to vector<16xi32>
      %and3A_81 = arith.andi %add3A_78, %and3A_80 : vector<16xi32>
      %bitcast3A_82 = vector.bitcast %and3A_81 : vector<16xi32> to vector<16xf32>
      %bitcast3A_83 = vector.bitcast %get3A_19 : vector<16xf32> to vector<16xi32>
      %add3A_84 = arith.constant 32767 : i32
      %add3A_85 = vector.broadcast %add3A_84 : i32 to vector<16xi32>
      %add3A_86 = arith.addi %bitcast3A_83, %add3A_85 : vector<16xi32>
      %shift_right_logical3A_87 = arith.constant 16 : i32
      %shift_right_logical3A_88 = vector.broadcast %shift_right_logical3A_87 : i32 to vector<16xi32>
      %shift_right_logical3A_89 = arith.shrui %bitcast3A_83, %shift_right_logical3A_88 : vector<16xi32>
      %and3A_90 = arith.constant 1 : i32
      %and3A_91 = vector.broadcast %and3A_90 : i32 to vector<16xi32>
      %and3A_92 = arith.andi %shift_right_logical3A_89, %and3A_91 : vector<16xi32>
      %add3A_93 = arith.addi %add3A_86, %and3A_92 : vector<16xi32>
      %and3A_94 = arith.constant -65536 : i32
      %and3A_95 = vector.broadcast %and3A_94 : i32 to vector<16xi32>
      %and3A_96 = arith.andi %add3A_93, %and3A_95 : vector<16xi32>
      %bitcast3A_97 = vector.bitcast %and3A_96 : vector<16xi32> to vector<16xf32>
      %bitcast3A_98 = vector.bitcast %get3A_23 : vector<16xf32> to vector<16xi32>
      %bitcast3A_99 = vector.bitcast %get3A_25 : vector<16xf32> to vector<16xi32>
      %slice3A = vector.extract_strided_slice %bitcast3A_37 {offsets = [0], sizes = [1], strides = [1]} : vector<16xf32> to vector<1xf32>
      %squeeze3A = vector.extract %slice3A[0] : f32 from vector<1xf32>
      %mul3A = vector.broadcast %squeeze3A : f32 to vector<16xf32>
      %mul3A_100 = arith.mulf %mul3A, %bitcast3A_52 : vector<16xf32>
      %slice3A_101 = vector.extract_strided_slice %bitcast3A_37 {offsets = [1], sizes = [1], strides = [1]} : vector<16xf32> to vector<1xf32>
      %squeeze3A_102 = vector.extract %slice3A_101[0] : f32 from vector<1xf32>
      %mul3A_103 = vector.broadcast %squeeze3A_102 : f32 to vector<16xf32>
      %mul3A_104 = arith.mulf %mul3A_103, %bitcast3A_67 : vector<16xf32>
      %add3A_105 = arith.addf %mul3A_100, %mul3A_104 : vector<16xf32>
      %add3A_106 = arith.addf %add3A_105, %get3A_13 : vector<16xf32>
      %swap3A = arith.constant 0 : i32
      %swap3A_107 = arith.index_cast %swap3A : i32 to index
      %swap3A_108 = arith.constant 0 : index
      %swap3A_109 = tpu.vector_load %arg5[%swap3A_107, %swap3A_108] {strides = array<i32>} : memref<16x16xf32, #tpu.memory_space<vmem>>, vector<16xf32>,
      tpu.vector_store %arg5[%swap3A_107, %swap3A_108], %add3A_106 {strides = array<i32>} : memref<16x16xf32, #tpu.memory_space<vmem>>, vector<16xf32>,
      %slice3A_110 = vector.extract_strided_slice %bitcast3A_37 {offsets = [2], sizes = [1], strides = [1]} : vector<16xf32> to vector<1xf32>
      %squeeze3A_111 = vector.extract %slice3A_110[0] : f32 from vector<1xf32>
      %mul3A_112 = vector.broadcast %squeeze3A_111 : f32 to vector<16xf32>
      %mul3A_113 = arith.mulf %mul3A_112, %bitcast3A_52 : vector<16xf32>
      %slice3A_114 = vector.extract_strided_slice %bitcast3A_37 {offsets = [3], sizes = [1], strides = [1]} : vector<16xf32> to vector<1xf32>
      %squeeze3A_115 = vector.extract %slice3A_114[0] : f32 from vector<1xf32>
      %mul3A_116 = vector.broadcast %squeeze3A_115 : f32 to vector<16xf32>
      %mul3A_117 = arith.mulf %mul3A_116, %bitcast3A_67 : vector<16xf32>
      %add3A_118 = arith.addf %mul3A_113, %mul3A_117 : vector<16xf32>
      %add3A_119 = arith.addf %add3A_118, %get3A_13 : vector<16xf32>
      %swap3A_120 = arith.constant 1 : i32
      %swap3A_121 = arith.index_cast %swap3A_120 : i32 to index
      %swap3A_122 = arith.constant 0 : index
      %swap3A_123 = tpu.vector_load %arg5[%swap3A_121, %swap3A_122] {strides = array<i32>} : memref<16x16xf32, #tpu.memory_space<vmem>>, vector<16xf32>,
      tpu.vector_store %arg5[%swap3A_121, %swap3A_122], %add3A_119 {strides = array<i32>} : memref<16x16xf32, #tpu.memory_space<vmem>>, vector<16xf32>,
      %slice3A_124 = vector.extract_strided_slice %bitcast3A_37 {offsets = [4], sizes = [1], strides = [1]} : vector<16xf32> to vector<1xf32>
      %squeeze3A_125 = vector.extract %slice3A_124[0] : f32 from vector<1xf32>
      %mul3A_126 = vector.broadcast %squeeze3A_125 : f32 to vector<16xf32>
      %mul3A_127 = arith.mulf %mul3A_126, %bitcast3A_52 : vector<16xf32>
      %slice3A_128 = vector.extract_strided_slice %bitcast3A_37 {offsets = [5], sizes = [1], strides = [1]} : vector<16xf32> to vector<1xf32>
      %squeeze3A_129 = vector.extract %slice3A_128[0] : f32 from vector<1xf32>
      %mul3A_130 = vector.broadcast %squeeze3A_129 : f32 to vector<16xf32>
      %mul3A_131 = arith.mulf %mul3A_130, %bitcast3A_67 : vector<16xf32>
      %add3A_132 = arith.addf %mul3A_127, %mul3A_131 : vector<16xf32>
      %add3A_133 = arith.addf %add3A_132, %get3A_13 : vector<16xf32>
      %swap3A_134 = arith.constant 2 : i32
      %swap3A_135 = arith.index_cast %swap3A_134 : i32 to index
      %swap3A_136 = arith.constant 0 : index
      %swap3A_137 = tpu.vector_load %arg5[%swap3A_135, %swap3A_136] {strides = array<i32>} : memref<16x16xf32, #tpu.memory_space<vmem>>, vector<16xf32>,
      tpu.vector_store %arg5[%swap3A_135, %swap3A_136], %add3A_133 {strides = array<i32>} : memref<16x16xf32, #tpu.memory_space<vmem>>, vector<16xf32>,
      %slice3A_138 = vector.extract_strided_slice %bitcast3A_37 {offsets = [6], sizes = [1], strides = [1]} : vector<16xf32> to vector<1xf32>
      %squeeze3A_139 = vector.extract %slice3A_138[0] : f32 from vector<1xf32>
      %mul3A_140 = vector.broadcast %squeeze3A_139 : f32 to vector<16xf32>
      %mul3A_141 = arith.mulf %mul3A_140, %bitcast3A_52 : vector<16xf32>
      %slice3A_142 = vector.extract_strided_slice %bitcast3A_37 {offsets = [7], sizes = [1], strides = [1]} : vector<16xf32> to vector<1xf32>
      %squeeze3A_143 = vector.extract %slice3A_142[0] : f32 from vector<1xf32>
      %mul3A_144 = vector.broadcast %squeeze3A_143 : f32 to vector<16xf32>
      %mul3A_145 = arith.mulf %mul3A_144, %bitcast3A_67 : vector<16xf32>
      %add3A_146 = arith.addf %mul3A_141, %mul3A_145 : vector<16xf32>
      %add3A_147 = arith.addf %add3A_146, %get3A_13 : vector<16xf32>
      %swap3A_148 = arith.constant 3 : i32
      %swap3A_149 = arith.index_cast %swap3A_148 : i32 to index
      %swap3A_150 = arith.constant 0 : index
      %swap3A_151 = tpu.vector_load %arg5[%swap3A_149, %swap3A_150] {strides = array<i32>} : memref<16x16xf32, #tpu.memory_space<vmem>>, vector<16xf32>,
      tpu.vector_store %arg5[%swap3A_149, %swap3A_150], %add3A_147 {strides = array<i32>} : memref<16x16xf32, #tpu.memory_space<vmem>>, vector<16xf32>,
      %swap3A_152 = arith.constant 15 : i32
      %swap3A_153 = arith.index_cast %swap3A_152 : i32 to index
      %swap3A_154 = arith.constant 0 : index
      %swap3A_155 = tpu.vector_load %arg5[%swap3A_153, %swap3A_154] {strides = array<i32>} : memref<16x16xf32, #tpu.memory_space<vmem>>, vector<16xf32>,
      tpu.vector_store %arg5[%swap3A_153, %swap3A_154], %broadcast_in_dim3A_6 {strides = array<i32>} : memref<16x16xf32, #tpu.memory_space<vmem>>, vector<16xf32>,
      %broadcast_in_dim3A_156 = arith.constant 0 : i32
      %broadcast_in_dim3A_157 = vector.broadcast %broadcast_in_dim3A_156 : i32 to vector<16xi32>
      %gather3A = tpu.vector_load_idx %arg5[%bitcast3A_98, %broadcast_in_dim3A_157] : memref<16x16xf32, #tpu.memory_space<vmem>>[vector<16xi32>, vector<16xi32>], vector<16xf32>,
      %broadcast_in_dim3A_158 = arith.constant 1 : i32
      %broadcast_in_dim3A_159 = vector.broadcast %broadcast_in_dim3A_158 : i32 to vector<16xi32>
      %gather3A_160 = tpu.vector_load_idx %arg5[%bitcast3A_98, %broadcast_in_dim3A_159] : memref<16x16xf32, #tpu.memory_space<vmem>>[vector<16xi32>, vector<16xi32>], vector<16xf32>,
      %broadcast_in_dim3A_161 = arith.constant 2 : i32
      %broadcast_in_dim3A_162 = vector.broadcast %broadcast_in_dim3A_161 : i32 to vector<16xi32>
      %gather3A_163 = tpu.vector_load_idx %arg5[%bitcast3A_98, %broadcast_in_dim3A_162] : memref<16x16xf32, #tpu.memory_space<vmem>>[vector<16xi32>, vector<16xi32>], vector<16xf32>,
      %broadcast_in_dim3A_164 = arith.constant 3 : i32
      %broadcast_in_dim3A_165 = vector.broadcast %broadcast_in_dim3A_164 : i32 to vector<16xi32>
      %gather3A_166 = tpu.vector_load_idx %arg5[%bitcast3A_98, %broadcast_in_dim3A_165] : memref<16x16xf32, #tpu.memory_space<vmem>>[vector<16xi32>, vector<16xi32>], vector<16xf32>,
      %broadcast_in_dim3A_167 = arith.constant 4 : i32
      %broadcast_in_dim3A_168 = vector.broadcast %broadcast_in_dim3A_167 : i32 to vector<16xi32>
      %gather3A_169 = tpu.vector_load_idx %arg5[%bitcast3A_98, %broadcast_in_dim3A_168] : memref<16x16xf32, #tpu.memory_space<vmem>>[vector<16xi32>, vector<16xi32>], vector<16xf32>,
      %broadcast_in_dim3A_170 = arith.constant 5 : i32
      %broadcast_in_dim3A_171 = vector.broadcast %broadcast_in_dim3A_170 : i32 to vector<16xi32>
      %gather3A_172 = tpu.vector_load_idx %arg5[%bitcast3A_98, %broadcast_in_dim3A_171] : memref<16x16xf32, #tpu.memory_space<vmem>>[vector<16xi32>, vector<16xi32>], vector<16xf32>,
      %broadcast_in_dim3A_173 = arith.constant 6 : i32
      %broadcast_in_dim3A_174 = vector.broadcast %broadcast_in_dim3A_173 : i32 to vector<16xi32>
      %gather3A_175 = tpu.vector_load_idx %arg5[%bitcast3A_98, %broadcast_in_dim3A_174] : memref<16x16xf32, #tpu.memory_space<vmem>>[vector<16xi32>, vector<16xi32>], vector<16xf32>,
      %broadcast_in_dim3A_176 = arith.constant 7 : i32
      %broadcast_in_dim3A_177 = vector.broadcast %broadcast_in_dim3A_176 : i32 to vector<16xi32>
      %gather3A_178 = tpu.vector_load_idx %arg5[%bitcast3A_98, %broadcast_in_dim3A_177] : memref<16x16xf32, #tpu.memory_space<vmem>>[vector<16xi32>, vector<16xi32>], vector<16xf32>,
      %broadcast_in_dim3A_179 = arith.constant 8 : i32
      %broadcast_in_dim3A_180 = vector.broadcast %broadcast_in_dim3A_179 : i32 to vector<16xi32>
      %gather3A_181 = tpu.vector_load_idx %arg5[%bitcast3A_99, %broadcast_in_dim3A_180] : memref<16x16xf32, #tpu.memory_space<vmem>>[vector<16xi32>, vector<16xi32>], vector<16xf32>,
      %broadcast_in_dim3A_182 = arith.constant 9 : i32
      %broadcast_in_dim3A_183 = vector.broadcast %broadcast_in_dim3A_182 : i32 to vector<16xi32>
      %gather3A_184 = tpu.vector_load_idx %arg5[%bitcast3A_99, %broadcast_in_dim3A_183] : memref<16x16xf32, #tpu.memory_space<vmem>>[vector<16xi32>, vector<16xi32>], vector<16xf32>,
      %broadcast_in_dim3A_185 = arith.constant 10 : i32
      %broadcast_in_dim3A_186 = vector.broadcast %broadcast_in_dim3A_185 : i32 to vector<16xi32>
      %gather3A_187 = tpu.vector_load_idx %arg5[%bitcast3A_99, %broadcast_in_dim3A_186] : memref<16x16xf32, #tpu.memory_space<vmem>>[vector<16xi32>, vector<16xi32>], vector<16xf32>,
      %broadcast_in_dim3A_188 = arith.constant 11 : i32
      %broadcast_in_dim3A_189 = vector.broadcast %broadcast_in_dim3A_188 : i32 to vector<16xi32>
      %gather3A_190 = tpu.vector_load_idx %arg5[%bitcast3A_99, %broadcast_in_dim3A_189] : memref<16x16xf32, #tpu.memory_space<vmem>>[vector<16xi32>, vector<16xi32>], vector<16xf32>,
      %broadcast_in_dim3A_191 = arith.constant 12 : i32
      %broadcast_in_dim3A_192 = vector.broadcast %broadcast_in_dim3A_191 : i32 to vector<16xi32>
      %gather3A_193 = tpu.vector_load_idx %arg5[%bitcast3A_99, %broadcast_in_dim3A_192] : memref<16x16xf32, #tpu.memory_space<vmem>>[vector<16xi32>, vector<16xi32>], vector<16xf32>,
      %broadcast_in_dim3A_194 = arith.constant 13 : i32
      %broadcast_in_dim3A_195 = vector.broadcast %broadcast_in_dim3A_194 : i32 to vector<16xi32>
      %gather3A_196 = tpu.vector_load_idx %arg5[%bitcast3A_99, %broadcast_in_dim3A_195] : memref<16x16xf32, #tpu.memory_space<vmem>>[vector<16xi32>, vector<16xi32>], vector<16xf32>,
      %broadcast_in_dim3A_197 = arith.constant 14 : i32
      %broadcast_in_dim3A_198 = vector.broadcast %broadcast_in_dim3A_197 : i32 to vector<16xi32>
      %gather3A_199 = tpu.vector_load_idx %arg5[%bitcast3A_99, %broadcast_in_dim3A_198] : memref<16x16xf32, #tpu.memory_space<vmem>>[vector<16xi32>, vector<16xi32>], vector<16xf32>,
      %broadcast_in_dim3A_200 = arith.constant 15 : i32
      %broadcast_in_dim3A_201 = vector.broadcast %broadcast_in_dim3A_200 : i32 to vector<16xi32>
      %gather3A_202 = tpu.vector_load_idx %arg5[%bitcast3A_99, %broadcast_in_dim3A_201] : memref<16x16xf32, #tpu.memory_space<vmem>>[vector<16xi32>, vector<16xi32>], vector<16xf32>,
      %add3A_203 = arith.addf %gather3A_181, %gather3A : vector<16xf32>
      %gt3A = arith.constant 0.000000e+00 : f32
      %gt3A_204 = vector.broadcast %gt3A : f32 to vector<16xf32>
      %gt3A_205 = arith.cmpf ogt, %add3A_203, %gt3A_204 : vector<16xf32>
      %mul3A_206 = arith.constant 2.000000e-01 : f32
      %mul3A_207 = vector.broadcast %mul3A_206 : f32 to vector<16xf32>
      %mul3A_208 = arith.mulf %mul3A_207, %add3A_203 : vector<16xf32>
      %select_n3A = arith.select %gt3A_205, %add3A_203, %mul3A_208 : vector<16xi1>, vector<16xf32>
      %add3A_209 = arith.addf %gather3A_184, %gather3A_160 : vector<16xf32>
      %gt3A_210 = arith.constant 0.000000e+00 : f32
      %gt3A_211 = vector.broadcast %gt3A_210 : f32 to vector<16xf32>
      %gt3A_212 = arith.cmpf ogt, %add3A_209, %gt3A_211 : vector<16xf32>
      %mul3A_213 = arith.constant 2.000000e-01 : f32
      %mul3A_214 = vector.broadcast %mul3A_213 : f32 to vector<16xf32>
      %mul3A_215 = arith.mulf %mul3A_214, %add3A_209 : vector<16xf32>
      %select_n3A_216 = arith.select %gt3A_212, %add3A_209, %mul3A_215 : vector<16xi1>, vector<16xf32>
      %add3A_217 = arith.addf %gather3A_187, %gather3A_163 : vector<16xf32>
      %gt3A_218 = arith.constant 0.000000e+00 : f32
      %gt3A_219 = vector.broadcast %gt3A_218 : f32 to vector<16xf32>
      %gt3A_220 = arith.cmpf ogt, %add3A_217, %gt3A_219 : vector<16xf32>
      %mul3A_221 = arith.constant 2.000000e-01 : f32
      %mul3A_222 = vector.broadcast %mul3A_221 : f32 to vector<16xf32>
      %mul3A_223 = arith.mulf %mul3A_222, %add3A_217 : vector<16xf32>
      %select_n3A_224 = arith.select %gt3A_220, %add3A_217, %mul3A_223 : vector<16xi1>, vector<16xf32>
      %add3A_225 = arith.addf %gather3A_190, %gather3A_166 : vector<16xf32>
      %gt3A_226 = arith.constant 0.000000e+00 : f32
      %gt3A_227 = vector.broadcast %gt3A_226 : f32 to vector<16xf32>
      %gt3A_228 = arith.cmpf ogt, %add3A_225, %gt3A_227 : vector<16xf32>
      %mul3A_229 = arith.constant 2.000000e-01 : f32
      %mul3A_230 = vector.broadcast %mul3A_229 : f32 to vector<16xf32>
      %mul3A_231 = arith.mulf %mul3A_230, %add3A_225 : vector<16xf32>
      %select_n3A_232 = arith.select %gt3A_228, %add3A_225, %mul3A_231 : vector<16xi1>, vector<16xf32>
      %add3A_233 = arith.addf %gather3A_193, %gather3A_169 : vector<16xf32>
      %gt3A_234 = arith.constant 0.000000e+00 : f32
      %gt3A_235 = vector.broadcast %gt3A_234 : f32 to vector<16xf32>
      %gt3A_236 = arith.cmpf ogt, %add3A_233, %gt3A_235 : vector<16xf32>
      %mul3A_237 = arith.constant 2.000000e-01 : f32
      %mul3A_238 = vector.broadcast %mul3A_237 : f32 to vector<16xf32>
      %mul3A_239 = arith.mulf %mul3A_238, %add3A_233 : vector<16xf32>
      %select_n3A_240 = arith.select %gt3A_236, %add3A_233, %mul3A_239 : vector<16xi1>, vector<16xf32>
      %add3A_241 = arith.addf %gather3A_196, %gather3A_172 : vector<16xf32>
      %gt3A_242 = arith.constant 0.000000e+00 : f32
      %gt3A_243 = vector.broadcast %gt3A_242 : f32 to vector<16xf32>
      %gt3A_244 = arith.cmpf ogt, %add3A_241, %gt3A_243 : vector<16xf32>
      %mul3A_245 = arith.constant 2.000000e-01 : f32
      %mul3A_246 = vector.broadcast %mul3A_245 : f32 to vector<16xf32>
      %mul3A_247 = arith.mulf %mul3A_246, %add3A_241 : vector<16xf32>
      %select_n3A_248 = arith.select %gt3A_244, %add3A_241, %mul3A_247 : vector<16xi1>, vector<16xf32>
      %add3A_249 = arith.addf %gather3A_199, %gather3A_175 : vector<16xf32>
      %gt3A_250 = arith.constant 0.000000e+00 : f32
      %gt3A_251 = vector.broadcast %gt3A_250 : f32 to vector<16xf32>
      %gt3A_252 = arith.cmpf ogt, %add3A_249, %gt3A_251 : vector<16xf32>
      %mul3A_253 = arith.constant 2.000000e-01 : f32
      %mul3A_254 = vector.broadcast %mul3A_253 : f32 to vector<16xf32>
      %mul3A_255 = arith.mulf %mul3A_254, %add3A_249 : vector<16xf32>
      %select_n3A_256 = arith.select %gt3A_252, %add3A_249, %mul3A_255 : vector<16xi1>, vector<16xf32>
      %add3A_257 = arith.addf %gather3A_202, %gather3A_178 : vector<16xf32>
      %gt3A_258 = arith.constant 0.000000e+00 : f32
      %gt3A_259 = vector.broadcast %gt3A_258 : f32 to vector<16xf32>
      %gt3A_260 = arith.cmpf ogt, %add3A_257, %gt3A_259 : vector<16xf32>
      %mul3A_261 = arith.constant 2.000000e-01 : f32
      %mul3A_262 = vector.broadcast %mul3A_261 : f32 to vector<16xf32>
      %mul3A_263 = arith.mulf %mul3A_262, %add3A_257 : vector<16xf32>
      %select_n3A_264 = arith.select %gt3A_260, %add3A_257, %mul3A_263 : vector<16xi1>, vector<16xf32>
      %slice3A_265 = vector.extract_strided_slice %get3A_15 {offsets = [0], sizes = [1], strides = [1]} : vector<16xf32> to vector<1xf32>
      %squeeze3A_266 = vector.extract %slice3A_265[0] : f32 from vector<1xf32>
      %mul3A_267 = vector.broadcast %squeeze3A_266 : f32 to vector<16xf32>
      %mul3A_268 = arith.mulf %select_n3A, %mul3A_267 : vector<16xf32>
      %slice3A_269 = vector.extract_strided_slice %get3A_15 {offsets = [1], sizes = [1], strides = [1]} : vector<16xf32> to vector<1xf32>
      %squeeze3A_270 = vector.extract %slice3A_269[0] : f32 from vector<1xf32>
      %mul3A_271 = vector.broadcast %squeeze3A_270 : f32 to vector<16xf32>
      %mul3A_272 = arith.mulf %select_n3A_216, %mul3A_271 : vector<16xf32>
      %add3A_273 = arith.addf %mul3A_268, %mul3A_272 : vector<16xf32>
      %slice3A_274 = vector.extract_strided_slice %get3A_15 {offsets = [2], sizes = [1], strides = [1]} : vector<16xf32> to vector<1xf32>
      %squeeze3A_275 = vector.extract %slice3A_274[0] : f32 from vector<1xf32>
      %mul3A_276 = vector.broadcast %squeeze3A_275 : f32 to vector<16xf32>
      %mul3A_277 = arith.mulf %select_n3A_224, %mul3A_276 : vector<16xf32>
      %add3A_278 = arith.addf %add3A_273, %mul3A_277 : vector<16xf32>
      %slice3A_279 = vector.extract_strided_slice %get3A_15 {offsets = [3], sizes = [1], strides = [1]} : vector<16xf32> to vector<1xf32>
      %squeeze3A_280 = vector.extract %slice3A_279[0] : f32 from vector<1xf32>
      %mul3A_281 = vector.broadcast %squeeze3A_280 : f32 to vector<16xf32>
      %mul3A_282 = arith.mulf %select_n3A_232, %mul3A_281 : vector<16xf32>
      %add3A_283 = arith.addf %add3A_278, %mul3A_282 : vector<16xf32>
      %jit3A = arith.constant -1.000000e+30 : f32
      %broadcast_in_dim3A_284 = vector.broadcast %jit3A : f32 to vector<16xf32>
      %select_n3A_285 = arith.select %lt3A_5, %add3A_283, %broadcast_in_dim3A_284 : vector<16xi1>, vector<16xf32>
      %slice3A_286 = vector.extract_strided_slice %get3A_15 {offsets = [4], sizes = [1], strides = [1]} : vector<16xf32> to vector<1xf32>
      %squeeze3A_287 = vector.extract %slice3A_286[0] : f32 from vector<1xf32>
      %mul3A_288 = vector.broadcast %squeeze3A_287 : f32 to vector<16xf32>
      %mul3A_289 = arith.mulf %select_n3A_240, %mul3A_288 : vector<16xf32>
      %slice3A_290 = vector.extract_strided_slice %get3A_15 {offsets = [5], sizes = [1], strides = [1]} : vector<16xf32> to vector<1xf32>
      %squeeze3A_291 = vector.extract %slice3A_290[0] : f32 from vector<1xf32>
      %mul3A_292 = vector.broadcast %squeeze3A_291 : f32 to vector<16xf32>
      %mul3A_293 = arith.mulf %select_n3A_248, %mul3A_292 : vector<16xf32>
      %add3A_294 = arith.addf %mul3A_289, %mul3A_293 : vector<16xf32>
      %slice3A_295 = vector.extract_strided_slice %get3A_15 {offsets = [6], sizes = [1], strides = [1]} : vector<16xf32> to vector<1xf32>
      %squeeze3A_296 = vector.extract %slice3A_295[0] : f32 from vector<1xf32>
      %mul3A_297 = vector.broadcast %squeeze3A_296 : f32 to vector<16xf32>
      %mul3A_298 = arith.mulf %select_n3A_256, %mul3A_297 : vector<16xf32>
      %add3A_299 = arith.addf %add3A_294, %mul3A_298 : vector<16xf32>
      %slice3A_300 = vector.extract_strided_slice %get3A_15 {offsets = [7], sizes = [1], strides = [1]} : vector<16xf32> to vector<1xf32>
      %squeeze3A_301 = vector.extract %slice3A_300[0] : f32 from vector<1xf32>
      %mul3A_302 = vector.broadcast %squeeze3A_301 : f32 to vector<16xf32>
      %mul3A_303 = arith.mulf %select_n3A_264, %mul3A_302 : vector<16xf32>
      %add3A_304 = arith.addf %add3A_299, %mul3A_303 : vector<16xf32>
      %jit3A_305 = arith.constant -1.000000e+30 : f32
      %broadcast_in_dim3A_306 = vector.broadcast %jit3A_305 : f32 to vector<16xf32>
      %select_n3A_307 = arith.select %lt3A_5, %add3A_304, %broadcast_in_dim3A_306 : vector<16xi1>, vector<16xf32>
      %swap3A_308 = arith.constant 0 : i32
      %swap3A_309 = arith.index_cast %swap3A_308 : i32 to index
      %swap3A_310 = arith.constant 0 : index
      %swap3A_311 = tpu.vector_load %arg6[%swap3A_309, %swap3A_310] {strides = array<i32>} : memref<16x16xf32, #tpu.memory_space<vmem>>, vector<16xf32>,
      tpu.vector_store %arg6[%swap3A_309, %swap3A_310], %broadcast_in_dim3A_6 {strides = array<i32>} : memref<16x16xf32, #tpu.memory_space<vmem>>, vector<16xf32>,
      %swap3A_312 = arith.constant 1 : i32
      %swap3A_313 = arith.index_cast %swap3A_312 : i32 to index
      %swap3A_314 = arith.constant 0 : index
      %swap3A_315 = tpu.vector_load %arg6[%swap3A_313, %swap3A_314] {strides = array<i32>} : memref<16x16xf32, #tpu.memory_space<vmem>>, vector<16xf32>,
      tpu.vector_store %arg6[%swap3A_313, %swap3A_314], %broadcast_in_dim3A_6 {strides = array<i32>} : memref<16x16xf32, #tpu.memory_space<vmem>>, vector<16xf32>,
      %swap3A_316 = arith.constant 2 : i32
      %swap3A_317 = arith.index_cast %swap3A_316 : i32 to index
      %swap3A_318 = arith.constant 0 : index
      %swap3A_319 = tpu.vector_load %arg6[%swap3A_317, %swap3A_318] {strides = array<i32>} : memref<16x16xf32, #tpu.memory_space<vmem>>, vector<16xf32>,
      tpu.vector_store %arg6[%swap3A_317, %swap3A_318], %broadcast_in_dim3A_6 {strides = array<i32>} : memref<16x16xf32, #tpu.memory_space<vmem>>, vector<16xf32>,
      %swap3A_320 = arith.constant 3 : i32
      %swap3A_321 = arith.index_cast %swap3A_320 : i32 to index
      %swap3A_322 = arith.constant 0 : index
      %swap3A_323 = tpu.vector_load %arg6[%swap3A_321, %swap3A_322] {strides = array<i32>} : memref<16x16xf32, #tpu.memory_space<vmem>>, vector<16xf32>,
      tpu.vector_store %arg6[%swap3A_321, %swap3A_322], %broadcast_in_dim3A_6 {strides = array<i32>} : memref<16x16xf32, #tpu.memory_space<vmem>>, vector<16xf32>,
      %swap3A_324 = arith.constant 4 : i32
      %swap3A_325 = arith.index_cast %swap3A_324 : i32 to index
      %swap3A_326 = arith.constant 0 : index
      %swap3A_327 = tpu.vector_load %arg6[%swap3A_325, %swap3A_326] {strides = array<i32>} : memref<16x16xf32, #tpu.memory_space<vmem>>, vector<16xf32>,
      tpu.vector_store %arg6[%swap3A_325, %swap3A_326], %broadcast_in_dim3A_6 {strides = array<i32>} : memref<16x16xf32, #tpu.memory_space<vmem>>, vector<16xf32>,
      %swap3A_328 = arith.constant 5 : i32
      %swap3A_329 = arith.index_cast %swap3A_328 : i32 to index
      %swap3A_330 = arith.constant 0 : index
      %swap3A_331 = tpu.vector_load %arg6[%swap3A_329, %swap3A_330] {strides = array<i32>} : memref<16x16xf32, #tpu.memory_space<vmem>>, vector<16xf32>,
      tpu.vector_store %arg6[%swap3A_329, %swap3A_330], %broadcast_in_dim3A_6 {strides = array<i32>} : memref<16x16xf32, #tpu.memory_space<vmem>>, vector<16xf32>,
      %swap3A_332 = arith.constant 6 : i32
      %swap3A_333 = arith.index_cast %swap3A_332 : i32 to index
      %swap3A_334 = arith.constant 0 : index
      %swap3A_335 = tpu.vector_load %arg6[%swap3A_333, %swap3A_334] {strides = array<i32>} : memref<16x16xf32, #tpu.memory_space<vmem>>, vector<16xf32>,
      tpu.vector_store %arg6[%swap3A_333, %swap3A_334], %broadcast_in_dim3A_6 {strides = array<i32>} : memref<16x16xf32, #tpu.memory_space<vmem>>, vector<16xf32>,
      %swap3A_336 = arith.constant 7 : i32
      %swap3A_337 = arith.index_cast %swap3A_336 : i32 to index
      %swap3A_338 = arith.constant 0 : index
      %swap3A_339 = tpu.vector_load %arg6[%swap3A_337, %swap3A_338] {strides = array<i32>} : memref<16x16xf32, #tpu.memory_space<vmem>>, vector<16xf32>,
      tpu.vector_store %arg6[%swap3A_337, %swap3A_338], %broadcast_in_dim3A_6 {strides = array<i32>} : memref<16x16xf32, #tpu.memory_space<vmem>>, vector<16xf32>,
      %swap3A_340 = arith.constant 8 : i32
      %swap3A_341 = arith.index_cast %swap3A_340 : i32 to index
      %swap3A_342 = arith.constant 0 : index
      %swap3A_343 = tpu.vector_load %arg6[%swap3A_341, %swap3A_342] {strides = array<i32>} : memref<16x16xf32, #tpu.memory_space<vmem>>, vector<16xf32>,
      tpu.vector_store %arg6[%swap3A_341, %swap3A_342], %broadcast_in_dim3A_6 {strides = array<i32>} : memref<16x16xf32, #tpu.memory_space<vmem>>, vector<16xf32>,
      %swap3A_344 = arith.constant 9 : i32
      %swap3A_345 = arith.index_cast %swap3A_344 : i32 to index
      %swap3A_346 = arith.constant 0 : index
      %swap3A_347 = tpu.vector_load %arg6[%swap3A_345, %swap3A_346] {strides = array<i32>} : memref<16x16xf32, #tpu.memory_space<vmem>>, vector<16xf32>,
      tpu.vector_store %arg6[%swap3A_345, %swap3A_346], %broadcast_in_dim3A_6 {strides = array<i32>} : memref<16x16xf32, #tpu.memory_space<vmem>>, vector<16xf32>,
      %swap3A_348 = arith.constant 10 : i32
      %swap3A_349 = arith.index_cast %swap3A_348 : i32 to index
      %swap3A_350 = arith.constant 0 : index
      %swap3A_351 = tpu.vector_load %arg6[%swap3A_349, %swap3A_350] {strides = array<i32>} : memref<16x16xf32, #tpu.memory_space<vmem>>, vector<16xf32>,
      tpu.vector_store %arg6[%swap3A_349, %swap3A_350], %broadcast_in_dim3A_6 {strides = array<i32>} : memref<16x16xf32, #tpu.memory_space<vmem>>, vector<16xf32>,
      %swap3A_352 = arith.constant 11 : i32
      %swap3A_353 = arith.index_cast %swap3A_352 : i32 to index
      %swap3A_354 = arith.constant 0 : index
      %swap3A_355 = tpu.vector_load %arg6[%swap3A_353, %swap3A_354] {strides = array<i32>} : memref<16x16xf32, #tpu.memory_space<vmem>>, vector<16xf32>,
      tpu.vector_store %arg6[%swap3A_353, %swap3A_354], %broadcast_in_dim3A_6 {strides = array<i32>} : memref<16x16xf32, #tpu.memory_space<vmem>>, vector<16xf32>,
      %swap3A_356 = arith.constant 12 : i32
      %swap3A_357 = arith.index_cast %swap3A_356 : i32 to index
      %swap3A_358 = arith.constant 0 : index
      %swap3A_359 = tpu.vector_load %arg6[%swap3A_357, %swap3A_358] {strides = array<i32>} : memref<16x16xf32, #tpu.memory_space<vmem>>, vector<16xf32>,
      tpu.vector_store %arg6[%swap3A_357, %swap3A_358], %broadcast_in_dim3A_6 {strides = array<i32>} : memref<16x16xf32, #tpu.memory_space<vmem>>, vector<16xf32>,
      %reduce_max3A = arith.constant true
      %reduce_max3A_360 = vector.broadcast %reduce_max3A : i1 to vector<16xi1>
      %reduce_max3A_361 = tpu.scan <max>, %select_n3A_285 masked %reduce_max3A_360 : vector<16xf32>, vector<16xi1> -> vector<16xf32>
      %reduce_max3A_362 = vector.extract %reduce_max3A_361[15] : f32 from vector<16xf32>
      %sub3A = vector.broadcast %reduce_max3A_362 : f32 to vector<16xf32>
      %sub3A_363 = arith.subf %select_n3A_285, %sub3A : vector<16xf32>
      %max3A = arith.constant -8.700000e+01 : f32
      %max3A_364 = vector.broadcast %max3A : f32 to vector<16xf32>
      %max3A_365 = arith.maximumf %sub3A_363, %max3A_364 : vector<16xf32>
      %min3A = arith.constant 8.800000e+01 : f32
      %min3A_366 = vector.broadcast %min3A : f32 to vector<16xf32>
      %min3A_367 = arith.minimumf %max3A_365, %min3A_366 : vector<16xf32>
      %mul3A_368 = arith.constant 1.44269502 : f32
      %mul3A_369 = vector.broadcast %mul3A_368 : f32 to vector<16xf32>
      %mul3A_370 = arith.mulf %min3A_367, %mul3A_369 : vector<16xf32>
      %add3A_371 = arith.constant 0x4B400000 : f32
      %add3A_372 = vector.broadcast %add3A_371 : f32 to vector<16xf32>
      %add3A_373 = arith.addf %mul3A_370, %add3A_372 : vector<16xf32>
      %sub3A_374 = arith.constant 0x4B400000 : f32
      %sub3A_375 = vector.broadcast %sub3A_374 : f32 to vector<16xf32>
      %sub3A_376 = arith.subf %add3A_373, %sub3A_375 : vector<16xf32>
      %mul3A_377 = arith.constant 0.693359375 : f32
      %mul3A_378 = vector.broadcast %mul3A_377 : f32 to vector<16xf32>
      %mul3A_379 = arith.mulf %sub3A_376, %mul3A_378 : vector<16xf32>
      %sub3A_380 = arith.subf %min3A_367, %mul3A_379 : vector<16xf32>
      %mul3A_381 = arith.constant -2.12194442E-4 : f32
      %mul3A_382 = vector.broadcast %mul3A_381 : f32 to vector<16xf32>
      %mul3A_383 = arith.mulf %sub3A_376, %mul3A_382 : vector<16xf32>
      %sub3A_384 = arith.subf %sub3A_380, %mul3A_383 : vector<16xf32>
      %mul3A_385 = arith.constant 0.00138888892 : f32
      %mul3A_386 = vector.broadcast %mul3A_385 : f32 to vector<16xf32>
      %mul3A_387 = arith.mulf %mul3A_386, %sub3A_384 : vector<16xf32>
      %add3A_388 = arith.constant 0.00833333377 : f32
      %add3A_389 = vector.broadcast %add3A_388 : f32 to vector<16xf32>
      %add3A_390 = arith.addf %mul3A_387, %add3A_389 : vector<16xf32>
      %mul3A_391 = arith.mulf %add3A_390, %sub3A_384 : vector<16xf32>
      %add3A_392 = arith.constant 0.0416666679 : f32
      %add3A_393 = vector.broadcast %add3A_392 : f32 to vector<16xf32>
      %add3A_394 = arith.addf %mul3A_391, %add3A_393 : vector<16xf32>
      %mul3A_395 = arith.mulf %add3A_394, %sub3A_384 : vector<16xf32>
      %add3A_396 = arith.constant 0.166666672 : f32
      %add3A_397 = vector.broadcast %add3A_396 : f32 to vector<16xf32>
      %add3A_398 = arith.addf %mul3A_395, %add3A_397 : vector<16xf32>
      %mul3A_399 = arith.mulf %add3A_398, %sub3A_384 : vector<16xf32>
      %add3A_400 = arith.constant 5.000000e-01 : f32
      %add3A_401 = vector.broadcast %add3A_400 : f32 to vector<16xf32>
      %add3A_402 = arith.addf %mul3A_399, %add3A_401 : vector<16xf32>
      %mul3A_403 = arith.mulf %add3A_402, %sub3A_384 : vector<16xf32>
      %add3A_404 = arith.constant 1.000000e+00 : f32
      %add3A_405 = vector.broadcast %add3A_404 : f32 to vector<16xf32>
      %add3A_406 = arith.addf %mul3A_403, %add3A_405 : vector<16xf32>
      %mul3A_407 = arith.mulf %add3A_406, %sub3A_384 : vector<16xf32>
      %add3A_408 = arith.constant 1.000000e+00 : f32
      %add3A_409 = vector.broadcast %add3A_408 : f32 to vector<16xf32>
      %add3A_410 = arith.addf %mul3A_407, %add3A_409 : vector<16xf32>
      %convert_element_type3A_411 = arith.fptosi %sub3A_376 : vector<16xf32> to vector<16xi32>
      %add3A_412 = arith.constant 127 : i32
      %add3A_413 = vector.broadcast %add3A_412 : i32 to vector<16xi32>
      %add3A_414 = arith.addi %convert_element_type3A_411, %add3A_413 : vector<16xi32>
      %shift_left3A = arith.constant 23 : i32
      %shift_left3A_415 = vector.broadcast %shift_left3A : i32 to vector<16xi32>
      %shift_left3A_416 = arith.shli %add3A_414, %shift_left3A_415 : vector<16xi32>
      %bitcast3A_417 = vector.bitcast %shift_left3A_416 : vector<16xi32> to vector<16xf32>
      %mul3A_418 = arith.mulf %add3A_410, %bitcast3A_417 : vector<16xf32>
      %broadcast_in_dim3A_419 = arith.constant 0 : i32
      %broadcast_in_dim3A_420 = vector.broadcast %broadcast_in_dim3A_419 : i32 to vector<16xi32>
      tpu.vector_store_idx %arg6[%broadcast_in_dim3A_420, %bitcast3A_99], %mul3A_418 {add = true} : memref<16x16xf32, #tpu.memory_space<vmem>>[vector<16xi32>, vector<16xi32>], vector<16xf32>,
      %broadcast_in_dim3A_421 = arith.constant 0 : i32
      %broadcast_in_dim3A_422 = vector.broadcast %broadcast_in_dim3A_421 : i32 to vector<16xi32>
      %gather3A_423 = tpu.vector_load_idx %arg6[%broadcast_in_dim3A_422, %bitcast3A_99] : memref<16x16xf32, #tpu.memory_space<vmem>>[vector<16xi32>, vector<16xi32>], vector<16xf32>,
      %add3A_424 = arith.constant 1.000000e-16 : f32
      %add3A_425 = vector.broadcast %add3A_424 : f32 to vector<16xf32>
      %add3A_426 = arith.addf %gather3A_423, %add3A_425 : vector<16xf32>
      %div3A = arith.constant 1.000000e+00 : f32
      %div3A_427 = vector.broadcast %div3A : f32 to vector<16xf32>
      %div3A_428 = arith.divf %div3A_427, %add3A_426 : vector<16xf32>
      %mul3A_429 = arith.mulf %add3A_426, %div3A_428 : vector<16xf32>
      %sub3A_430 = arith.constant 2.000000e+00 : f32
      %sub3A_431 = vector.broadcast %sub3A_430 : f32 to vector<16xf32>
      %sub3A_432 = arith.subf %sub3A_431, %mul3A_429 : vector<16xf32>
      %mul3A_433 = arith.mulf %div3A_428, %sub3A_432 : vector<16xf32>
      %mul3A_434 = arith.mulf %mul3A_418, %mul3A_433 : vector<16xf32>
      %reduce_max3A_435 = arith.constant true
      %reduce_max3A_436 = vector.broadcast %reduce_max3A_435 : i1 to vector<16xi1>
      %reduce_max3A_437 = tpu.scan <max>, %select_n3A_307 masked %reduce_max3A_436 : vector<16xf32>, vector<16xi1> -> vector<16xf32>
      %reduce_max3A_438 = vector.extract %reduce_max3A_437[15] : f32 from vector<16xf32>
      %sub3A_439 = vector.broadcast %reduce_max3A_438 : f32 to vector<16xf32>
      %sub3A_440 = arith.subf %select_n3A_307, %sub3A_439 : vector<16xf32>
      %max3A_441 = arith.constant -8.700000e+01 : f32
      %max3A_442 = vector.broadcast %max3A_441 : f32 to vector<16xf32>
      %max3A_443 = arith.maximumf %sub3A_440, %max3A_442 : vector<16xf32>
      %min3A_444 = arith.constant 8.800000e+01 : f32
      %min3A_445 = vector.broadcast %min3A_444 : f32 to vector<16xf32>
      %min3A_446 = arith.minimumf %max3A_443, %min3A_445 : vector<16xf32>
      %mul3A_447 = arith.constant 1.44269502 : f32
      %mul3A_448 = vector.broadcast %mul3A_447 : f32 to vector<16xf32>
      %mul3A_449 = arith.mulf %min3A_446, %mul3A_448 : vector<16xf32>
      %add3A_450 = arith.constant 0x4B400000 : f32
      %add3A_451 = vector.broadcast %add3A_450 : f32 to vector<16xf32>
      %add3A_452 = arith.addf %mul3A_449, %add3A_451 : vector<16xf32>
      %sub3A_453 = arith.constant 0x4B400000 : f32
      %sub3A_454 = vector.broadcast %sub3A_453 : f32 to vector<16xf32>
      %sub3A_455 = arith.subf %add3A_452, %sub3A_454 : vector<16xf32>
      %mul3A_456 = arith.constant 0.693359375 : f32
      %mul3A_457 = vector.broadcast %mul3A_456 : f32 to vector<16xf32>
      %mul3A_458 = arith.mulf %sub3A_455, %mul3A_457 : vector<16xf32>
      %sub3A_459 = arith.subf %min3A_446, %mul3A_458 : vector<16xf32>
      %mul3A_460 = arith.constant -2.12194442E-4 : f32
      %mul3A_461 = vector.broadcast %mul3A_460 : f32 to vector<16xf32>
      %mul3A_462 = arith.mulf %sub3A_455, %mul3A_461 : vector<16xf32>
      %sub3A_463 = arith.subf %sub3A_459, %mul3A_462 : vector<16xf32>
      %mul3A_464 = arith.constant 0.00138888892 : f32
      %mul3A_465 = vector.broadcast %mul3A_464 : f32 to vector<16xf32>
      %mul3A_466 = arith.mulf %mul3A_465, %sub3A_463 : vector<16xf32>
      %add3A_467 = arith.constant 0.00833333377 : f32
      %add3A_468 = vector.broadcast %add3A_467 : f32 to vector<16xf32>
      %add3A_469 = arith.addf %mul3A_466, %add3A_468 : vector<16xf32>
      %mul3A_470 = arith.mulf %add3A_469, %sub3A_463 : vector<16xf32>
      %add3A_471 = arith.constant 0.0416666679 : f32
      %add3A_472 = vector.broadcast %add3A_471 : f32 to vector<16xf32>
      %add3A_473 = arith.addf %mul3A_470, %add3A_472 : vector<16xf32>
      %mul3A_474 = arith.mulf %add3A_473, %sub3A_463 : vector<16xf32>
      %add3A_475 = arith.constant 0.166666672 : f32
      %add3A_476 = vector.broadcast %add3A_475 : f32 to vector<16xf32>
      %add3A_477 = arith.addf %mul3A_474, %add3A_476 : vector<16xf32>
      %mul3A_478 = arith.mulf %add3A_477, %sub3A_463 : vector<16xf32>
      %add3A_479 = arith.constant 5.000000e-01 : f32
      %add3A_480 = vector.broadcast %add3A_479 : f32 to vector<16xf32>
      %add3A_481 = arith.addf %mul3A_478, %add3A_480 : vector<16xf32>
      %mul3A_482 = arith.mulf %add3A_481, %sub3A_463 : vector<16xf32>
      %add3A_483 = arith.constant 1.000000e+00 : f32
      %add3A_484 = vector.broadcast %add3A_483 : f32 to vector<16xf32>
      %add3A_485 = arith.addf %mul3A_482, %add3A_484 : vector<16xf32>
      %mul3A_486 = arith.mulf %add3A_485, %sub3A_463 : vector<16xf32>
      %add3A_487 = arith.constant 1.000000e+00 : f32
      %add3A_488 = vector.broadcast %add3A_487 : f32 to vector<16xf32>
      %add3A_489 = arith.addf %mul3A_486, %add3A_488 : vector<16xf32>
      %convert_element_type3A_490 = arith.fptosi %sub3A_455 : vector<16xf32> to vector<16xi32>
      %add3A_491 = arith.constant 127 : i32
      %add3A_492 = vector.broadcast %add3A_491 : i32 to vector<16xi32>
      %add3A_493 = arith.addi %convert_element_type3A_490, %add3A_492 : vector<16xi32>
      %shift_left3A_494 = arith.constant 23 : i32
      %shift_left3A_495 = vector.broadcast %shift_left3A_494 : i32 to vector<16xi32>
      %shift_left3A_496 = arith.shli %add3A_493, %shift_left3A_495 : vector<16xi32>
      %bitcast3A_497 = vector.bitcast %shift_left3A_496 : vector<16xi32> to vector<16xf32>
      %mul3A_498 = arith.mulf %add3A_489, %bitcast3A_497 : vector<16xf32>
      %broadcast_in_dim3A_499 = arith.constant 1 : i32
      %broadcast_in_dim3A_500 = vector.broadcast %broadcast_in_dim3A_499 : i32 to vector<16xi32>
      tpu.vector_store_idx %arg6[%broadcast_in_dim3A_500, %bitcast3A_99], %mul3A_498 {add = true} : memref<16x16xf32, #tpu.memory_space<vmem>>[vector<16xi32>, vector<16xi32>], vector<16xf32>,
      %broadcast_in_dim3A_501 = arith.constant 1 : i32
      %broadcast_in_dim3A_502 = vector.broadcast %broadcast_in_dim3A_501 : i32 to vector<16xi32>
      %gather3A_503 = tpu.vector_load_idx %arg6[%broadcast_in_dim3A_502, %bitcast3A_99] : memref<16x16xf32, #tpu.memory_space<vmem>>[vector<16xi32>, vector<16xi32>], vector<16xf32>,
      %add3A_504 = arith.constant 1.000000e-16 : f32
      %add3A_505 = vector.broadcast %add3A_504 : f32 to vector<16xf32>
      %add3A_506 = arith.addf %gather3A_503, %add3A_505 : vector<16xf32>
      %div3A_507 = arith.constant 1.000000e+00 : f32
      %div3A_508 = vector.broadcast %div3A_507 : f32 to vector<16xf32>
      %div3A_509 = arith.divf %div3A_508, %add3A_506 : vector<16xf32>
      %mul3A_510 = arith.mulf %add3A_506, %div3A_509 : vector<16xf32>
      %sub3A_511 = arith.constant 2.000000e+00 : f32
      %sub3A_512 = vector.broadcast %sub3A_511 : f32 to vector<16xf32>
      %sub3A_513 = arith.subf %sub3A_512, %mul3A_510 : vector<16xf32>
      %mul3A_514 = arith.mulf %div3A_509, %sub3A_513 : vector<16xf32>
      %mul3A_515 = arith.mulf %mul3A_498, %mul3A_514 : vector<16xf32>
      %broadcast_in_dim3A_516 = arith.constant 2 : i32
      %broadcast_in_dim3A_517 = vector.broadcast %broadcast_in_dim3A_516 : i32 to vector<16xi32>
      %mul3A_518 = arith.mulf %mul3A_434, %gather3A : vector<16xf32>
      tpu.vector_store_idx %arg6[%broadcast_in_dim3A_517, %bitcast3A_99], %mul3A_518 {add = true} : memref<16x16xf32, #tpu.memory_space<vmem>>[vector<16xi32>, vector<16xi32>], vector<16xf32>,
      %broadcast_in_dim3A_519 = arith.constant 3 : i32
      %broadcast_in_dim3A_520 = vector.broadcast %broadcast_in_dim3A_519 : i32 to vector<16xi32>
      %mul3A_521 = arith.mulf %mul3A_434, %gather3A_160 : vector<16xf32>
      tpu.vector_store_idx %arg6[%broadcast_in_dim3A_520, %bitcast3A_99], %mul3A_521 {add = true} : memref<16x16xf32, #tpu.memory_space<vmem>>[vector<16xi32>, vector<16xi32>], vector<16xf32>,
      %broadcast_in_dim3A_522 = arith.constant 4 : i32
      %broadcast_in_dim3A_523 = vector.broadcast %broadcast_in_dim3A_522 : i32 to vector<16xi32>
      %mul3A_524 = arith.mulf %mul3A_434, %gather3A_163 : vector<16xf32>
      tpu.vector_store_idx %arg6[%broadcast_in_dim3A_523, %bitcast3A_99], %mul3A_524 {add = true} : memref<16x16xf32, #tpu.memory_space<vmem>>[vector<16xi32>, vector<16xi32>], vector<16xf32>,
      %broadcast_in_dim3A_525 = arith.constant 5 : i32
      %broadcast_in_dim3A_526 = vector.broadcast %broadcast_in_dim3A_525 : i32 to vector<16xi32>
      %mul3A_527 = arith.mulf %mul3A_434, %gather3A_166 : vector<16xf32>
      tpu.vector_store_idx %arg6[%broadcast_in_dim3A_526, %bitcast3A_99], %mul3A_527 {add = true} : memref<16x16xf32, #tpu.memory_space<vmem>>[vector<16xi32>, vector<16xi32>], vector<16xf32>,
      %broadcast_in_dim3A_528 = arith.constant 6 : i32
      %broadcast_in_dim3A_529 = vector.broadcast %broadcast_in_dim3A_528 : i32 to vector<16xi32>
      %mul3A_530 = arith.mulf %mul3A_515, %gather3A_169 : vector<16xf32>
      tpu.vector_store_idx %arg6[%broadcast_in_dim3A_529, %bitcast3A_99], %mul3A_530 {add = true} : memref<16x16xf32, #tpu.memory_space<vmem>>[vector<16xi32>, vector<16xi32>], vector<16xf32>,
      %broadcast_in_dim3A_531 = arith.constant 7 : i32
      %broadcast_in_dim3A_532 = vector.broadcast %broadcast_in_dim3A_531 : i32 to vector<16xi32>
      %mul3A_533 = arith.mulf %mul3A_515, %gather3A_172 : vector<16xf32>
      tpu.vector_store_idx %arg6[%broadcast_in_dim3A_532, %bitcast3A_99], %mul3A_533 {add = true} : memref<16x16xf32, #tpu.memory_space<vmem>>[vector<16xi32>, vector<16xi32>], vector<16xf32>,
      %broadcast_in_dim3A_534 = arith.constant 8 : i32
      %broadcast_in_dim3A_535 = vector.broadcast %broadcast_in_dim3A_534 : i32 to vector<16xi32>
      %mul3A_536 = arith.mulf %mul3A_515, %gather3A_175 : vector<16xf32>
      tpu.vector_store_idx %arg6[%broadcast_in_dim3A_535, %bitcast3A_99], %mul3A_536 {add = true} : memref<16x16xf32, #tpu.memory_space<vmem>>[vector<16xi32>, vector<16xi32>], vector<16xf32>,
      %broadcast_in_dim3A_537 = arith.constant 9 : i32
      %broadcast_in_dim3A_538 = vector.broadcast %broadcast_in_dim3A_537 : i32 to vector<16xi32>
      %mul3A_539 = arith.mulf %mul3A_515, %gather3A_178 : vector<16xf32>
      tpu.vector_store_idx %arg6[%broadcast_in_dim3A_538, %bitcast3A_99], %mul3A_539 {add = true} : memref<16x16xf32, #tpu.memory_space<vmem>>[vector<16xi32>, vector<16xi32>], vector<16xf32>,
      %get3A_540 = arith.constant 2 : i32
      %get3A_541 = arith.index_cast %get3A_540 : i32 to index
      %get3A_542 = arith.constant 0 : index
      %get3A_543 = tpu.vector_load %arg6[%get3A_541, %get3A_542] {strides = array<i32>} : memref<16x16xf32, #tpu.memory_space<vmem>>, vector<16xf32>,
      %slice3A_544 = vector.extract_strided_slice %get3A_15 {offsets = [8], sizes = [1], strides = [1]} : vector<16xf32> to vector<1xf32>
      %squeeze3A_545 = vector.extract %slice3A_544[0] : f32 from vector<1xf32>
      %add3A_546 = vector.broadcast %squeeze3A_545 : f32 to vector<16xf32>
      %add3A_547 = arith.addf %get3A_543, %add3A_546 : vector<16xf32>
      %gt3A_548 = arith.constant 0.000000e+00 : f32
      %gt3A_549 = vector.broadcast %gt3A_548 : f32 to vector<16xf32>
      %gt3A_550 = arith.cmpf ogt, %add3A_547, %gt3A_549 : vector<16xf32>
      %max3A_551 = arith.constant -8.700000e+01 : f32
      %max3A_552 = vector.broadcast %max3A_551 : f32 to vector<16xf32>
      %max3A_553 = arith.maximumf %add3A_547, %max3A_552 : vector<16xf32>
      %min3A_554 = arith.constant 8.800000e+01 : f32
      %min3A_555 = vector.broadcast %min3A_554 : f32 to vector<16xf32>
      %min3A_556 = arith.minimumf %max3A_553, %min3A_555 : vector<16xf32>
      %mul3A_557 = arith.constant 1.44269502 : f32
      %mul3A_558 = vector.broadcast %mul3A_557 : f32 to vector<16xf32>
      %mul3A_559 = arith.mulf %min3A_556, %mul3A_558 : vector<16xf32>
      %add3A_560 = arith.constant 0x4B400000 : f32
      %add3A_561 = vector.broadcast %add3A_560 : f32 to vector<16xf32>
      %add3A_562 = arith.addf %mul3A_559, %add3A_561 : vector<16xf32>
      %sub3A_563 = arith.constant 0x4B400000 : f32
      %sub3A_564 = vector.broadcast %sub3A_563 : f32 to vector<16xf32>
      %sub3A_565 = arith.subf %add3A_562, %sub3A_564 : vector<16xf32>
      %mul3A_566 = arith.constant 0.693359375 : f32
      %mul3A_567 = vector.broadcast %mul3A_566 : f32 to vector<16xf32>
      %mul3A_568 = arith.mulf %sub3A_565, %mul3A_567 : vector<16xf32>
      %sub3A_569 = arith.subf %min3A_556, %mul3A_568 : vector<16xf32>
      %mul3A_570 = arith.constant -2.12194442E-4 : f32
      %mul3A_571 = vector.broadcast %mul3A_570 : f32 to vector<16xf32>
      %mul3A_572 = arith.mulf %sub3A_565, %mul3A_571 : vector<16xf32>
      %sub3A_573 = arith.subf %sub3A_569, %mul3A_572 : vector<16xf32>
      %mul3A_574 = arith.constant 0.00138888892 : f32
      %mul3A_575 = vector.broadcast %mul3A_574 : f32 to vector<16xf32>
      %mul3A_576 = arith.mulf %mul3A_575, %sub3A_573 : vector<16xf32>
      %add3A_577 = arith.constant 0.00833333377 : f32
      %add3A_578 = vector.broadcast %add3A_577 : f32 to vector<16xf32>
      %add3A_579 = arith.addf %mul3A_576, %add3A_578 : vector<16xf32>
      %mul3A_580 = arith.mulf %add3A_579, %sub3A_573 : vector<16xf32>
      %add3A_581 = arith.constant 0.0416666679 : f32
      %add3A_582 = vector.broadcast %add3A_581 : f32 to vector<16xf32>
      %add3A_583 = arith.addf %mul3A_580, %add3A_582 : vector<16xf32>
      %mul3A_584 = arith.mulf %add3A_583, %sub3A_573 : vector<16xf32>
      %add3A_585 = arith.constant 0.166666672 : f32
      %add3A_586 = vector.broadcast %add3A_585 : f32 to vector<16xf32>
      %add3A_587 = arith.addf %mul3A_584, %add3A_586 : vector<16xf32>
      %mul3A_588 = arith.mulf %add3A_587, %sub3A_573 : vector<16xf32>
      %add3A_589 = arith.constant 5.000000e-01 : f32
      %add3A_590 = vector.broadcast %add3A_589 : f32 to vector<16xf32>
      %add3A_591 = arith.addf %mul3A_588, %add3A_590 : vector<16xf32>
      %mul3A_592 = arith.mulf %add3A_591, %sub3A_573 : vector<16xf32>
      %add3A_593 = arith.constant 1.000000e+00 : f32
      %add3A_594 = vector.broadcast %add3A_593 : f32 to vector<16xf32>
      %add3A_595 = arith.addf %mul3A_592, %add3A_594 : vector<16xf32>
      %mul3A_596 = arith.mulf %add3A_595, %sub3A_573 : vector<16xf32>
      %add3A_597 = arith.constant 1.000000e+00 : f32
      %add3A_598 = vector.broadcast %add3A_597 : f32 to vector<16xf32>
      %add3A_599 = arith.addf %mul3A_596, %add3A_598 : vector<16xf32>
      %convert_element_type3A_600 = arith.fptosi %sub3A_565 : vector<16xf32> to vector<16xi32>
      %add3A_601 = arith.constant 127 : i32
      %add3A_602 = vector.broadcast %add3A_601 : i32 to vector<16xi32>
      %add3A_603 = arith.addi %convert_element_type3A_600, %add3A_602 : vector<16xi32>
      %shift_left3A_604 = arith.constant 23 : i32
      %shift_left3A_605 = vector.broadcast %shift_left3A_604 : i32 to vector<16xi32>
      %shift_left3A_606 = arith.shli %add3A_603, %shift_left3A_605 : vector<16xi32>
      %bitcast3A_607 = vector.bitcast %shift_left3A_606 : vector<16xi32> to vector<16xf32>
      %mul3A_608 = arith.mulf %add3A_599, %bitcast3A_607 : vector<16xf32>
      %sub3A_609 = arith.constant 1.000000e+00 : f32
      %sub3A_610 = vector.broadcast %sub3A_609 : f32 to vector<16xf32>
      %sub3A_611 = arith.subf %mul3A_608, %sub3A_610 : vector<16xf32>
      %select_n3A_612 = arith.select %gt3A_550, %add3A_547, %sub3A_611 : vector<16xi1>, vector<16xf32>
      %bitcast3A_613 = vector.bitcast %select_n3A_612 : vector<16xf32> to vector<16xi32>
      %add3A_614 = arith.constant 32767 : i32
      %add3A_615 = vector.broadcast %add3A_614 : i32 to vector<16xi32>
      %add3A_616 = arith.addi %bitcast3A_613, %add3A_615 : vector<16xi32>
      %shift_right_logical3A_617 = arith.constant 16 : i32
      %shift_right_logical3A_618 = vector.broadcast %shift_right_logical3A_617 : i32 to vector<16xi32>
      %shift_right_logical3A_619 = arith.shrui %bitcast3A_613, %shift_right_logical3A_618 : vector<16xi32>
      %and3A_620 = arith.constant 1 : i32
      %and3A_621 = vector.broadcast %and3A_620 : i32 to vector<16xi32>
      %and3A_622 = arith.andi %shift_right_logical3A_619, %and3A_621 : vector<16xi32>
      %add3A_623 = arith.addi %add3A_616, %and3A_622 : vector<16xi32>
      %and3A_624 = arith.constant -65536 : i32
      %and3A_625 = vector.broadcast %and3A_624 : i32 to vector<16xi32>
      %and3A_626 = arith.andi %add3A_623, %and3A_625 : vector<16xi32>
      %bitcast3A_627 = vector.bitcast %and3A_626 : vector<16xi32> to vector<16xf32>
      %get3A_628 = arith.constant 3 : i32
      %get3A_629 = arith.index_cast %get3A_628 : i32 to index
      %get3A_630 = arith.constant 0 : index
      %get3A_631 = tpu.vector_load %arg6[%get3A_629, %get3A_630] {strides = array<i32>} : memref<16x16xf32, #tpu.memory_space<vmem>>, vector<16xf32>,
      %slice3A_632 = vector.extract_strided_slice %get3A_15 {offsets = [9], sizes = [1], strides = [1]} : vector<16xf32> to vector<1xf32>
      %squeeze3A_633 = vector.extract %slice3A_632[0] : f32 from vector<1xf32>
      %add3A_634 = vector.broadcast %squeeze3A_633 : f32 to vector<16xf32>
      %add3A_635 = arith.addf %get3A_631, %add3A_634 : vector<16xf32>
      %gt3A_636 = arith.constant 0.000000e+00 : f32
      %gt3A_637 = vector.broadcast %gt3A_636 : f32 to vector<16xf32>
      %gt3A_638 = arith.cmpf ogt, %add3A_635, %gt3A_637 : vector<16xf32>
      %max3A_639 = arith.constant -8.700000e+01 : f32
      %max3A_640 = vector.broadcast %max3A_639 : f32 to vector<16xf32>
      %max3A_641 = arith.maximumf %add3A_635, %max3A_640 : vector<16xf32>
      %min3A_642 = arith.constant 8.800000e+01 : f32
      %min3A_643 = vector.broadcast %min3A_642 : f32 to vector<16xf32>
      %min3A_644 = arith.minimumf %max3A_641, %min3A_643 : vector<16xf32>
      %mul3A_645 = arith.constant 1.44269502 : f32
      %mul3A_646 = vector.broadcast %mul3A_645 : f32 to vector<16xf32>
      %mul3A_647 = arith.mulf %min3A_644, %mul3A_646 : vector<16xf32>
      %add3A_648 = arith.constant 0x4B400000 : f32
      %add3A_649 = vector.broadcast %add3A_648 : f32 to vector<16xf32>
      %add3A_650 = arith.addf %mul3A_647, %add3A_649 : vector<16xf32>
      %sub3A_651 = arith.constant 0x4B400000 : f32
      %sub3A_652 = vector.broadcast %sub3A_651 : f32 to vector<16xf32>
      %sub3A_653 = arith.subf %add3A_650, %sub3A_652 : vector<16xf32>
      %mul3A_654 = arith.constant 0.693359375 : f32
      %mul3A_655 = vector.broadcast %mul3A_654 : f32 to vector<16xf32>
      %mul3A_656 = arith.mulf %sub3A_653, %mul3A_655 : vector<16xf32>
      %sub3A_657 = arith.subf %min3A_644, %mul3A_656 : vector<16xf32>
      %mul3A_658 = arith.constant -2.12194442E-4 : f32
      %mul3A_659 = vector.broadcast %mul3A_658 : f32 to vector<16xf32>
      %mul3A_660 = arith.mulf %sub3A_653, %mul3A_659 : vector<16xf32>
      %sub3A_661 = arith.subf %sub3A_657, %mul3A_660 : vector<16xf32>
      %mul3A_662 = arith.constant 0.00138888892 : f32
      %mul3A_663 = vector.broadcast %mul3A_662 : f32 to vector<16xf32>
      %mul3A_664 = arith.mulf %mul3A_663, %sub3A_661 : vector<16xf32>
      %add3A_665 = arith.constant 0.00833333377 : f32
      %add3A_666 = vector.broadcast %add3A_665 : f32 to vector<16xf32>
      %add3A_667 = arith.addf %mul3A_664, %add3A_666 : vector<16xf32>
      %mul3A_668 = arith.mulf %add3A_667, %sub3A_661 : vector<16xf32>
      %add3A_669 = arith.constant 0.0416666679 : f32
      %add3A_670 = vector.broadcast %add3A_669 : f32 to vector<16xf32>
      %add3A_671 = arith.addf %mul3A_668, %add3A_670 : vector<16xf32>
      %mul3A_672 = arith.mulf %add3A_671, %sub3A_661 : vector<16xf32>
      %add3A_673 = arith.constant 0.166666672 : f32
      %add3A_674 = vector.broadcast %add3A_673 : f32 to vector<16xf32>
      %add3A_675 = arith.addf %mul3A_672, %add3A_674 : vector<16xf32>
      %mul3A_676 = arith.mulf %add3A_675, %sub3A_661 : vector<16xf32>
      %add3A_677 = arith.constant 5.000000e-01 : f32
      %add3A_678 = vector.broadcast %add3A_677 : f32 to vector<16xf32>
      %add3A_679 = arith.addf %mul3A_676, %add3A_678 : vector<16xf32>
      %mul3A_680 = arith.mulf %add3A_679, %sub3A_661 : vector<16xf32>
      %add3A_681 = arith.constant 1.000000e+00 : f32
      %add3A_682 = vector.broadcast %add3A_681 : f32 to vector<16xf32>
      %add3A_683 = arith.addf %mul3A_680, %add3A_682 : vector<16xf32>
      %mul3A_684 = arith.mulf %add3A_683, %sub3A_661 : vector<16xf32>
      %add3A_685 = arith.constant 1.000000e+00 : f32
      %add3A_686 = vector.broadcast %add3A_685 : f32 to vector<16xf32>
      %add3A_687 = arith.addf %mul3A_684, %add3A_686 : vector<16xf32>
      %convert_element_type3A_688 = arith.fptosi %sub3A_653 : vector<16xf32> to vector<16xi32>
      %add3A_689 = arith.constant 127 : i32
      %add3A_690 = vector.broadcast %add3A_689 : i32 to vector<16xi32>
      %add3A_691 = arith.addi %convert_element_type3A_688, %add3A_690 : vector<16xi32>
      %shift_left3A_692 = arith.constant 23 : i32
      %shift_left3A_693 = vector.broadcast %shift_left3A_692 : i32 to vector<16xi32>
      %shift_left3A_694 = arith.shli %add3A_691, %shift_left3A_693 : vector<16xi32>
      %bitcast3A_695 = vector.bitcast %shift_left3A_694 : vector<16xi32> to vector<16xf32>
      %mul3A_696 = arith.mulf %add3A_687, %bitcast3A_695 : vector<16xf32>
      %sub3A_697 = arith.constant 1.000000e+00 : f32
      %sub3A_698 = vector.broadcast %sub3A_697 : f32 to vector<16xf32>
      %sub3A_699 = arith.subf %mul3A_696, %sub3A_698 : vector<16xf32>
      %select_n3A_700 = arith.select %gt3A_638, %add3A_635, %sub3A_699 : vector<16xi1>, vector<16xf32>
      %bitcast3A_701 = vector.bitcast %select_n3A_700 : vector<16xf32> to vector<16xi32>
      %add3A_702 = arith.constant 32767 : i32
      %add3A_703 = vector.broadcast %add3A_702 : i32 to vector<16xi32>
      %add3A_704 = arith.addi %bitcast3A_701, %add3A_703 : vector<16xi32>
      %shift_right_logical3A_705 = arith.constant 16 : i32
      %shift_right_logical3A_706 = vector.broadcast %shift_right_logical3A_705 : i32 to vector<16xi32>
      %shift_right_logical3A_707 = arith.shrui %bitcast3A_701, %shift_right_logical3A_706 : vector<16xi32>
      %and3A_708 = arith.constant 1 : i32
      %and3A_709 = vector.broadcast %and3A_708 : i32 to vector<16xi32>
      %and3A_710 = arith.andi %shift_right_logical3A_707, %and3A_709 : vector<16xi32>
      %add3A_711 = arith.addi %add3A_704, %and3A_710 : vector<16xi32>
      %and3A_712 = arith.constant -65536 : i32
      %and3A_713 = vector.broadcast %and3A_712 : i32 to vector<16xi32>
      %and3A_714 = arith.andi %add3A_711, %and3A_713 : vector<16xi32>
      %bitcast3A_715 = vector.bitcast %and3A_714 : vector<16xi32> to vector<16xf32>
      %get3A_716 = arith.constant 4 : i32
      %get3A_717 = arith.index_cast %get3A_716 : i32 to index
      %get3A_718 = arith.constant 0 : index
      %get3A_719 = tpu.vector_load %arg6[%get3A_717, %get3A_718] {strides = array<i32>} : memref<16x16xf32, #tpu.memory_space<vmem>>, vector<16xf32>,
      %slice3A_720 = vector.extract_strided_slice %get3A_15 {offsets = [10], sizes = [1], strides = [1]} : vector<16xf32> to vector<1xf32>
      %squeeze3A_721 = vector.extract %slice3A_720[0] : f32 from vector<1xf32>
      %add3A_722 = vector.broadcast %squeeze3A_721 : f32 to vector<16xf32>
      %add3A_723 = arith.addf %get3A_719, %add3A_722 : vector<16xf32>
      %gt3A_724 = arith.constant 0.000000e+00 : f32
      %gt3A_725 = vector.broadcast %gt3A_724 : f32 to vector<16xf32>
      %gt3A_726 = arith.cmpf ogt, %add3A_723, %gt3A_725 : vector<16xf32>
      %max3A_727 = arith.constant -8.700000e+01 : f32
      %max3A_728 = vector.broadcast %max3A_727 : f32 to vector<16xf32>
      %max3A_729 = arith.maximumf %add3A_723, %max3A_728 : vector<16xf32>
      %min3A_730 = arith.constant 8.800000e+01 : f32
      %min3A_731 = vector.broadcast %min3A_730 : f32 to vector<16xf32>
      %min3A_732 = arith.minimumf %max3A_729, %min3A_731 : vector<16xf32>
      %mul3A_733 = arith.constant 1.44269502 : f32
      %mul3A_734 = vector.broadcast %mul3A_733 : f32 to vector<16xf32>
      %mul3A_735 = arith.mulf %min3A_732, %mul3A_734 : vector<16xf32>
      %add3A_736 = arith.constant 0x4B400000 : f32
      %add3A_737 = vector.broadcast %add3A_736 : f32 to vector<16xf32>
      %add3A_738 = arith.addf %mul3A_735, %add3A_737 : vector<16xf32>
      %sub3A_739 = arith.constant 0x4B400000 : f32
      %sub3A_740 = vector.broadcast %sub3A_739 : f32 to vector<16xf32>
      %sub3A_741 = arith.subf %add3A_738, %sub3A_740 : vector<16xf32>
      %mul3A_742 = arith.constant 0.693359375 : f32
      %mul3A_743 = vector.broadcast %mul3A_742 : f32 to vector<16xf32>
      %mul3A_744 = arith.mulf %sub3A_741, %mul3A_743 : vector<16xf32>
      %sub3A_745 = arith.subf %min3A_732, %mul3A_744 : vector<16xf32>
      %mul3A_746 = arith.constant -2.12194442E-4 : f32
      %mul3A_747 = vector.broadcast %mul3A_746 : f32 to vector<16xf32>
      %mul3A_748 = arith.mulf %sub3A_741, %mul3A_747 : vector<16xf32>
      %sub3A_749 = arith.subf %sub3A_745, %mul3A_748 : vector<16xf32>
      %mul3A_750 = arith.constant 0.00138888892 : f32
      %mul3A_751 = vector.broadcast %mul3A_750 : f32 to vector<16xf32>
      %mul3A_752 = arith.mulf %mul3A_751, %sub3A_749 : vector<16xf32>
      %add3A_753 = arith.constant 0.00833333377 : f32
      %add3A_754 = vector.broadcast %add3A_753 : f32 to vector<16xf32>
      %add3A_755 = arith.addf %mul3A_752, %add3A_754 : vector<16xf32>
      %mul3A_756 = arith.mulf %add3A_755, %sub3A_749 : vector<16xf32>
      %add3A_757 = arith.constant 0.0416666679 : f32
      %add3A_758 = vector.broadcast %add3A_757 : f32 to vector<16xf32>
      %add3A_759 = arith.addf %mul3A_756, %add3A_758 : vector<16xf32>
      %mul3A_760 = arith.mulf %add3A_759, %sub3A_749 : vector<16xf32>
      %add3A_761 = arith.constant 0.166666672 : f32
      %add3A_762 = vector.broadcast %add3A_761 : f32 to vector<16xf32>
      %add3A_763 = arith.addf %mul3A_760, %add3A_762 : vector<16xf32>
      %mul3A_764 = arith.mulf %add3A_763, %sub3A_749 : vector<16xf32>
      %add3A_765 = arith.constant 5.000000e-01 : f32
      %add3A_766 = vector.broadcast %add3A_765 : f32 to vector<16xf32>
      %add3A_767 = arith.addf %mul3A_764, %add3A_766 : vector<16xf32>
      %mul3A_768 = arith.mulf %add3A_767, %sub3A_749 : vector<16xf32>
      %add3A_769 = arith.constant 1.000000e+00 : f32
      %add3A_770 = vector.broadcast %add3A_769 : f32 to vector<16xf32>
      %add3A_771 = arith.addf %mul3A_768, %add3A_770 : vector<16xf32>
      %mul3A_772 = arith.mulf %add3A_771, %sub3A_749 : vector<16xf32>
      %add3A_773 = arith.constant 1.000000e+00 : f32
      %add3A_774 = vector.broadcast %add3A_773 : f32 to vector<16xf32>
      %add3A_775 = arith.addf %mul3A_772, %add3A_774 : vector<16xf32>
      %convert_element_type3A_776 = arith.fptosi %sub3A_741 : vector<16xf32> to vector<16xi32>
      %add3A_777 = arith.constant 127 : i32
      %add3A_778 = vector.broadcast %add3A_777 : i32 to vector<16xi32>
      %add3A_779 = arith.addi %convert_element_type3A_776, %add3A_778 : vector<16xi32>
      %shift_left3A_780 = arith.constant 23 : i32
      %shift_left3A_781 = vector.broadcast %shift_left3A_780 : i32 to vector<16xi32>
      %shift_left3A_782 = arith.shli %add3A_779, %shift_left3A_781 : vector<16xi32>
      %bitcast3A_783 = vector.bitcast %shift_left3A_782 : vector<16xi32> to vector<16xf32>
      %mul3A_784 = arith.mulf %add3A_775, %bitcast3A_783 : vector<16xf32>
      %sub3A_785 = arith.constant 1.000000e+00 : f32
      %sub3A_786 = vector.broadcast %sub3A_785 : f32 to vector<16xf32>
      %sub3A_787 = arith.subf %mul3A_784, %sub3A_786 : vector<16xf32>
      %select_n3A_788 = arith.select %gt3A_726, %add3A_723, %sub3A_787 : vector<16xi1>, vector<16xf32>
      %bitcast3A_789 = vector.bitcast %select_n3A_788 : vector<16xf32> to vector<16xi32>
      %add3A_790 = arith.constant 32767 : i32
      %add3A_791 = vector.broadcast %add3A_790 : i32 to vector<16xi32>
      %add3A_792 = arith.addi %bitcast3A_789, %add3A_791 : vector<16xi32>
      %shift_right_logical3A_793 = arith.constant 16 : i32
      %shift_right_logical3A_794 = vector.broadcast %shift_right_logical3A_793 : i32 to vector<16xi32>
      %shift_right_logical3A_795 = arith.shrui %bitcast3A_789, %shift_right_logical3A_794 : vector<16xi32>
      %and3A_796 = arith.constant 1 : i32
      %and3A_797 = vector.broadcast %and3A_796 : i32 to vector<16xi32>
      %and3A_798 = arith.andi %shift_right_logical3A_795, %and3A_797 : vector<16xi32>
      %add3A_799 = arith.addi %add3A_792, %and3A_798 : vector<16xi32>
      %and3A_800 = arith.constant -65536 : i32
      %and3A_801 = vector.broadcast %and3A_800 : i32 to vector<16xi32>
      %and3A_802 = arith.andi %add3A_799, %and3A_801 : vector<16xi32>
      %bitcast3A_803 = vector.bitcast %and3A_802 : vector<16xi32> to vector<16xf32>
      %get3A_804 = arith.constant 5 : i32
      %get3A_805 = arith.index_cast %get3A_804 : i32 to index
      %get3A_806 = arith.constant 0 : index
      %get3A_807 = tpu.vector_load %arg6[%get3A_805, %get3A_806] {strides = array<i32>} : memref<16x16xf32, #tpu.memory_space<vmem>>, vector<16xf32>,
      %slice3A_808 = vector.extract_strided_slice %get3A_15 {offsets = [11], sizes = [1], strides = [1]} : vector<16xf32> to vector<1xf32>
      %squeeze3A_809 = vector.extract %slice3A_808[0] : f32 from vector<1xf32>
      %add3A_810 = vector.broadcast %squeeze3A_809 : f32 to vector<16xf32>
      %add3A_811 = arith.addf %get3A_807, %add3A_810 : vector<16xf32>
      %gt3A_812 = arith.constant 0.000000e+00 : f32
      %gt3A_813 = vector.broadcast %gt3A_812 : f32 to vector<16xf32>
      %gt3A_814 = arith.cmpf ogt, %add3A_811, %gt3A_813 : vector<16xf32>
      %max3A_815 = arith.constant -8.700000e+01 : f32
      %max3A_816 = vector.broadcast %max3A_815 : f32 to vector<16xf32>
      %max3A_817 = arith.maximumf %add3A_811, %max3A_816 : vector<16xf32>
      %min3A_818 = arith.constant 8.800000e+01 : f32
      %min3A_819 = vector.broadcast %min3A_818 : f32 to vector<16xf32>
      %min3A_820 = arith.minimumf %max3A_817, %min3A_819 : vector<16xf32>
      %mul3A_821 = arith.constant 1.44269502 : f32
      %mul3A_822 = vector.broadcast %mul3A_821 : f32 to vector<16xf32>
      %mul3A_823 = arith.mulf %min3A_820, %mul3A_822 : vector<16xf32>
      %add3A_824 = arith.constant 0x4B400000 : f32
      %add3A_825 = vector.broadcast %add3A_824 : f32 to vector<16xf32>
      %add3A_826 = arith.addf %mul3A_823, %add3A_825 : vector<16xf32>
      %sub3A_827 = arith.constant 0x4B400000 : f32
      %sub3A_828 = vector.broadcast %sub3A_827 : f32 to vector<16xf32>
      %sub3A_829 = arith.subf %add3A_826, %sub3A_828 : vector<16xf32>
      %mul3A_830 = arith.constant 0.693359375 : f32
      %mul3A_831 = vector.broadcast %mul3A_830 : f32 to vector<16xf32>
      %mul3A_832 = arith.mulf %sub3A_829, %mul3A_831 : vector<16xf32>
      %sub3A_833 = arith.subf %min3A_820, %mul3A_832 : vector<16xf32>
      %mul3A_834 = arith.constant -2.12194442E-4 : f32
      %mul3A_835 = vector.broadcast %mul3A_834 : f32 to vector<16xf32>
      %mul3A_836 = arith.mulf %sub3A_829, %mul3A_835 : vector<16xf32>
      %sub3A_837 = arith.subf %sub3A_833, %mul3A_836 : vector<16xf32>
      %mul3A_838 = arith.constant 0.00138888892 : f32
      %mul3A_839 = vector.broadcast %mul3A_838 : f32 to vector<16xf32>
      %mul3A_840 = arith.mulf %mul3A_839, %sub3A_837 : vector<16xf32>
      %add3A_841 = arith.constant 0.00833333377 : f32
      %add3A_842 = vector.broadcast %add3A_841 : f32 to vector<16xf32>
      %add3A_843 = arith.addf %mul3A_840, %add3A_842 : vector<16xf32>
      %mul3A_844 = arith.mulf %add3A_843, %sub3A_837 : vector<16xf32>
      %add3A_845 = arith.constant 0.0416666679 : f32
      %add3A_846 = vector.broadcast %add3A_845 : f32 to vector<16xf32>
      %add3A_847 = arith.addf %mul3A_844, %add3A_846 : vector<16xf32>
      %mul3A_848 = arith.mulf %add3A_847, %sub3A_837 : vector<16xf32>
      %add3A_849 = arith.constant 0.166666672 : f32
      %add3A_850 = vector.broadcast %add3A_849 : f32 to vector<16xf32>
      %add3A_851 = arith.addf %mul3A_848, %add3A_850 : vector<16xf32>
      %mul3A_852 = arith.mulf %add3A_851, %sub3A_837 : vector<16xf32>
      %add3A_853 = arith.constant 5.000000e-01 : f32
      %add3A_854 = vector.broadcast %add3A_853 : f32 to vector<16xf32>
      %add3A_855 = arith.addf %mul3A_852, %add3A_854 : vector<16xf32>
      %mul3A_856 = arith.mulf %add3A_855, %sub3A_837 : vector<16xf32>
      %add3A_857 = arith.constant 1.000000e+00 : f32
      %add3A_858 = vector.broadcast %add3A_857 : f32 to vector<16xf32>
      %add3A_859 = arith.addf %mul3A_856, %add3A_858 : vector<16xf32>
      %mul3A_860 = arith.mulf %add3A_859, %sub3A_837 : vector<16xf32>
      %add3A_861 = arith.constant 1.000000e+00 : f32
      %add3A_862 = vector.broadcast %add3A_861 : f32 to vector<16xf32>
      %add3A_863 = arith.addf %mul3A_860, %add3A_862 : vector<16xf32>
      %convert_element_type3A_864 = arith.fptosi %sub3A_829 : vector<16xf32> to vector<16xi32>
      %add3A_865 = arith.constant 127 : i32
      %add3A_866 = vector.broadcast %add3A_865 : i32 to vector<16xi32>
      %add3A_867 = arith.addi %convert_element_type3A_864, %add3A_866 : vector<16xi32>
      %shift_left3A_868 = arith.constant 23 : i32
      %shift_left3A_869 = vector.broadcast %shift_left3A_868 : i32 to vector<16xi32>
      %shift_left3A_870 = arith.shli %add3A_867, %shift_left3A_869 : vector<16xi32>
      %bitcast3A_871 = vector.bitcast %shift_left3A_870 : vector<16xi32> to vector<16xf32>
      %mul3A_872 = arith.mulf %add3A_863, %bitcast3A_871 : vector<16xf32>
      %sub3A_873 = arith.constant 1.000000e+00 : f32
      %sub3A_874 = vector.broadcast %sub3A_873 : f32 to vector<16xf32>
      %sub3A_875 = arith.subf %mul3A_872, %sub3A_874 : vector<16xf32>
      %select_n3A_876 = arith.select %gt3A_814, %add3A_811, %sub3A_875 : vector<16xi1>, vector<16xf32>
      %bitcast3A_877 = vector.bitcast %select_n3A_876 : vector<16xf32> to vector<16xi32>
      %add3A_878 = arith.constant 32767 : i32
      %add3A_879 = vector.broadcast %add3A_878 : i32 to vector<16xi32>
      %add3A_880 = arith.addi %bitcast3A_877, %add3A_879 : vector<16xi32>
      %shift_right_logical3A_881 = arith.constant 16 : i32
      %shift_right_logical3A_882 = vector.broadcast %shift_right_logical3A_881 : i32 to vector<16xi32>
      %shift_right_logical3A_883 = arith.shrui %bitcast3A_877, %shift_right_logical3A_882 : vector<16xi32>
      %and3A_884 = arith.constant 1 : i32
      %and3A_885 = vector.broadcast %and3A_884 : i32 to vector<16xi32>
      %and3A_886 = arith.andi %shift_right_logical3A_883, %and3A_885 : vector<16xi32>
      %add3A_887 = arith.addi %add3A_880, %and3A_886 : vector<16xi32>
      %and3A_888 = arith.constant -65536 : i32
      %and3A_889 = vector.broadcast %and3A_888 : i32 to vector<16xi32>
      %and3A_890 = arith.andi %add3A_887, %and3A_889 : vector<16xi32>
      %bitcast3A_891 = vector.bitcast %and3A_890 : vector<16xi32> to vector<16xf32>
      %get3A_892 = arith.constant 6 : i32
      %get3A_893 = arith.index_cast %get3A_892 : i32 to index
      %get3A_894 = arith.constant 0 : index
      %get3A_895 = tpu.vector_load %arg6[%get3A_893, %get3A_894] {strides = array<i32>} : memref<16x16xf32, #tpu.memory_space<vmem>>, vector<16xf32>,
      %slice3A_896 = vector.extract_strided_slice %get3A_15 {offsets = [12], sizes = [1], strides = [1]} : vector<16xf32> to vector<1xf32>
      %squeeze3A_897 = vector.extract %slice3A_896[0] : f32 from vector<1xf32>
      %add3A_898 = vector.broadcast %squeeze3A_897 : f32 to vector<16xf32>
      %add3A_899 = arith.addf %get3A_895, %add3A_898 : vector<16xf32>
      %gt3A_900 = arith.constant 0.000000e+00 : f32
      %gt3A_901 = vector.broadcast %gt3A_900 : f32 to vector<16xf32>
      %gt3A_902 = arith.cmpf ogt, %add3A_899, %gt3A_901 : vector<16xf32>
      %max3A_903 = arith.constant -8.700000e+01 : f32
      %max3A_904 = vector.broadcast %max3A_903 : f32 to vector<16xf32>
      %max3A_905 = arith.maximumf %add3A_899, %max3A_904 : vector<16xf32>
      %min3A_906 = arith.constant 8.800000e+01 : f32
      %min3A_907 = vector.broadcast %min3A_906 : f32 to vector<16xf32>
      %min3A_908 = arith.minimumf %max3A_905, %min3A_907 : vector<16xf32>
      %mul3A_909 = arith.constant 1.44269502 : f32
      %mul3A_910 = vector.broadcast %mul3A_909 : f32 to vector<16xf32>
      %mul3A_911 = arith.mulf %min3A_908, %mul3A_910 : vector<16xf32>
      %add3A_912 = arith.constant 0x4B400000 : f32
      %add3A_913 = vector.broadcast %add3A_912 : f32 to vector<16xf32>
      %add3A_914 = arith.addf %mul3A_911, %add3A_913 : vector<16xf32>
      %sub3A_915 = arith.constant 0x4B400000 : f32
      %sub3A_916 = vector.broadcast %sub3A_915 : f32 to vector<16xf32>
      %sub3A_917 = arith.subf %add3A_914, %sub3A_916 : vector<16xf32>
      %mul3A_918 = arith.constant 0.693359375 : f32
      %mul3A_919 = vector.broadcast %mul3A_918 : f32 to vector<16xf32>
      %mul3A_920 = arith.mulf %sub3A_917, %mul3A_919 : vector<16xf32>
      %sub3A_921 = arith.subf %min3A_908, %mul3A_920 : vector<16xf32>
      %mul3A_922 = arith.constant -2.12194442E-4 : f32
      %mul3A_923 = vector.broadcast %mul3A_922 : f32 to vector<16xf32>
      %mul3A_924 = arith.mulf %sub3A_917, %mul3A_923 : vector<16xf32>
      %sub3A_925 = arith.subf %sub3A_921, %mul3A_924 : vector<16xf32>
      %mul3A_926 = arith.constant 0.00138888892 : f32
      %mul3A_927 = vector.broadcast %mul3A_926 : f32 to vector<16xf32>
      %mul3A_928 = arith.mulf %mul3A_927, %sub3A_925 : vector<16xf32>
      %add3A_929 = arith.constant 0.00833333377 : f32
      %add3A_930 = vector.broadcast %add3A_929 : f32 to vector<16xf32>
      %add3A_931 = arith.addf %mul3A_928, %add3A_930 : vector<16xf32>
      %mul3A_932 = arith.mulf %add3A_931, %sub3A_925 : vector<16xf32>
      %add3A_933 = arith.constant 0.0416666679 : f32
      %add3A_934 = vector.broadcast %add3A_933 : f32 to vector<16xf32>
      %add3A_935 = arith.addf %mul3A_932, %add3A_934 : vector<16xf32>
      %mul3A_936 = arith.mulf %add3A_935, %sub3A_925 : vector<16xf32>
      %add3A_937 = arith.constant 0.166666672 : f32
      %add3A_938 = vector.broadcast %add3A_937 : f32 to vector<16xf32>
      %add3A_939 = arith.addf %mul3A_936, %add3A_938 : vector<16xf32>
      %mul3A_940 = arith.mulf %add3A_939, %sub3A_925 : vector<16xf32>
      %add3A_941 = arith.constant 5.000000e-01 : f32
      %add3A_942 = vector.broadcast %add3A_941 : f32 to vector<16xf32>
      %add3A_943 = arith.addf %mul3A_940, %add3A_942 : vector<16xf32>
      %mul3A_944 = arith.mulf %add3A_943, %sub3A_925 : vector<16xf32>
      %add3A_945 = arith.constant 1.000000e+00 : f32
      %add3A_946 = vector.broadcast %add3A_945 : f32 to vector<16xf32>
      %add3A_947 = arith.addf %mul3A_944, %add3A_946 : vector<16xf32>
      %mul3A_948 = arith.mulf %add3A_947, %sub3A_925 : vector<16xf32>
      %add3A_949 = arith.constant 1.000000e+00 : f32
      %add3A_950 = vector.broadcast %add3A_949 : f32 to vector<16xf32>
      %add3A_951 = arith.addf %mul3A_948, %add3A_950 : vector<16xf32>
      %convert_element_type3A_952 = arith.fptosi %sub3A_917 : vector<16xf32> to vector<16xi32>
      %add3A_953 = arith.constant 127 : i32
      %add3A_954 = vector.broadcast %add3A_953 : i32 to vector<16xi32>
      %add3A_955 = arith.addi %convert_element_type3A_952, %add3A_954 : vector<16xi32>
      %shift_left3A_956 = arith.constant 23 : i32
      %shift_left3A_957 = vector.broadcast %shift_left3A_956 : i32 to vector<16xi32>
      %shift_left3A_958 = arith.shli %add3A_955, %shift_left3A_957 : vector<16xi32>
      %bitcast3A_959 = vector.bitcast %shift_left3A_958 : vector<16xi32> to vector<16xf32>
      %mul3A_960 = arith.mulf %add3A_951, %bitcast3A_959 : vector<16xf32>
      %sub3A_961 = arith.constant 1.000000e+00 : f32
      %sub3A_962 = vector.broadcast %sub3A_961 : f32 to vector<16xf32>
      %sub3A_963 = arith.subf %mul3A_960, %sub3A_962 : vector<16xf32>
      %select_n3A_964 = arith.select %gt3A_902, %add3A_899, %sub3A_963 : vector<16xi1>, vector<16xf32>
      %bitcast3A_965 = vector.bitcast %select_n3A_964 : vector<16xf32> to vector<16xi32>
      %add3A_966 = arith.constant 32767 : i32
      %add3A_967 = vector.broadcast %add3A_966 : i32 to vector<16xi32>
      %add3A_968 = arith.addi %bitcast3A_965, %add3A_967 : vector<16xi32>
      %shift_right_logical3A_969 = arith.constant 16 : i32
      %shift_right_logical3A_970 = vector.broadcast %shift_right_logical3A_969 : i32 to vector<16xi32>
      %shift_right_logical3A_971 = arith.shrui %bitcast3A_965, %shift_right_logical3A_970 : vector<16xi32>
      %and3A_972 = arith.constant 1 : i32
      %and3A_973 = vector.broadcast %and3A_972 : i32 to vector<16xi32>
      %and3A_974 = arith.andi %shift_right_logical3A_971, %and3A_973 : vector<16xi32>
      %add3A_975 = arith.addi %add3A_968, %and3A_974 : vector<16xi32>
      %and3A_976 = arith.constant -65536 : i32
      %and3A_977 = vector.broadcast %and3A_976 : i32 to vector<16xi32>
      %and3A_978 = arith.andi %add3A_975, %and3A_977 : vector<16xi32>
      %bitcast3A_979 = vector.bitcast %and3A_978 : vector<16xi32> to vector<16xf32>
      %get3A_980 = arith.constant 7 : i32
      %get3A_981 = arith.index_cast %get3A_980 : i32 to index
      %get3A_982 = arith.constant 0 : index
      %get3A_983 = tpu.vector_load %arg6[%get3A_981, %get3A_982] {strides = array<i32>} : memref<16x16xf32, #tpu.memory_space<vmem>>, vector<16xf32>,
      %slice3A_984 = vector.extract_strided_slice %get3A_15 {offsets = [13], sizes = [1], strides = [1]} : vector<16xf32> to vector<1xf32>
      %squeeze3A_985 = vector.extract %slice3A_984[0] : f32 from vector<1xf32>
      %add3A_986 = vector.broadcast %squeeze3A_985 : f32 to vector<16xf32>
      %add3A_987 = arith.addf %get3A_983, %add3A_986 : vector<16xf32>
      %gt3A_988 = arith.constant 0.000000e+00 : f32
      %gt3A_989 = vector.broadcast %gt3A_988 : f32 to vector<16xf32>
      %gt3A_990 = arith.cmpf ogt, %add3A_987, %gt3A_989 : vector<16xf32>
      %max3A_991 = arith.constant -8.700000e+01 : f32
      %max3A_992 = vector.broadcast %max3A_991 : f32 to vector<16xf32>
      %max3A_993 = arith.maximumf %add3A_987, %max3A_992 : vector<16xf32>
      %min3A_994 = arith.constant 8.800000e+01 : f32
      %min3A_995 = vector.broadcast %min3A_994 : f32 to vector<16xf32>
      %min3A_996 = arith.minimumf %max3A_993, %min3A_995 : vector<16xf32>
      %mul3A_997 = arith.constant 1.44269502 : f32
      %mul3A_998 = vector.broadcast %mul3A_997 : f32 to vector<16xf32>
      %mul3A_999 = arith.mulf %min3A_996, %mul3A_998 : vector<16xf32>
      %add3A_1000 = arith.constant 0x4B400000 : f32
      %add3A_1001 = vector.broadcast %add3A_1000 : f32 to vector<16xf32>
      %add3A_1002 = arith.addf %mul3A_999, %add3A_1001 : vector<16xf32>
      %sub3A_1003 = arith.constant 0x4B400000 : f32
      %sub3A_1004 = vector.broadcast %sub3A_1003 : f32 to vector<16xf32>
      %sub3A_1005 = arith.subf %add3A_1002, %sub3A_1004 : vector<16xf32>
      %mul3A_1006 = arith.constant 0.693359375 : f32
      %mul3A_1007 = vector.broadcast %mul3A_1006 : f32 to vector<16xf32>
      %mul3A_1008 = arith.mulf %sub3A_1005, %mul3A_1007 : vector<16xf32>
      %sub3A_1009 = arith.subf %min3A_996, %mul3A_1008 : vector<16xf32>
      %mul3A_1010 = arith.constant -2.12194442E-4 : f32
      %mul3A_1011 = vector.broadcast %mul3A_1010 : f32 to vector<16xf32>
      %mul3A_1012 = arith.mulf %sub3A_1005, %mul3A_1011 : vector<16xf32>
      %sub3A_1013 = arith.subf %sub3A_1009, %mul3A_1012 : vector<16xf32>
      %mul3A_1014 = arith.constant 0.00138888892 : f32
      %mul3A_1015 = vector.broadcast %mul3A_1014 : f32 to vector<16xf32>
      %mul3A_1016 = arith.mulf %mul3A_1015, %sub3A_1013 : vector<16xf32>
      %add3A_1017 = arith.constant 0.00833333377 : f32
      %add3A_1018 = vector.broadcast %add3A_1017 : f32 to vector<16xf32>
      %add3A_1019 = arith.addf %mul3A_1016, %add3A_1018 : vector<16xf32>
      %mul3A_1020 = arith.mulf %add3A_1019, %sub3A_1013 : vector<16xf32>
      %add3A_1021 = arith.constant 0.0416666679 : f32
      %add3A_1022 = vector.broadcast %add3A_1021 : f32 to vector<16xf32>
      %add3A_1023 = arith.addf %mul3A_1020, %add3A_1022 : vector<16xf32>
      %mul3A_1024 = arith.mulf %add3A_1023, %sub3A_1013 : vector<16xf32>
      %add3A_1025 = arith.constant 0.166666672 : f32
      %add3A_1026 = vector.broadcast %add3A_1025 : f32 to vector<16xf32>
      %add3A_1027 = arith.addf %mul3A_1024, %add3A_1026 : vector<16xf32>
      %mul3A_1028 = arith.mulf %add3A_1027, %sub3A_1013 : vector<16xf32>
      %add3A_1029 = arith.constant 5.000000e-01 : f32
      %add3A_1030 = vector.broadcast %add3A_1029 : f32 to vector<16xf32>
      %add3A_1031 = arith.addf %mul3A_1028, %add3A_1030 : vector<16xf32>
      %mul3A_1032 = arith.mulf %add3A_1031, %sub3A_1013 : vector<16xf32>
      %add3A_1033 = arith.constant 1.000000e+00 : f32
      %add3A_1034 = vector.broadcast %add3A_1033 : f32 to vector<16xf32>
      %add3A_1035 = arith.addf %mul3A_1032, %add3A_1034 : vector<16xf32>
      %mul3A_1036 = arith.mulf %add3A_1035, %sub3A_1013 : vector<16xf32>
      %add3A_1037 = arith.constant 1.000000e+00 : f32
      %add3A_1038 = vector.broadcast %add3A_1037 : f32 to vector<16xf32>
      %add3A_1039 = arith.addf %mul3A_1036, %add3A_1038 : vector<16xf32>
      %convert_element_type3A_1040 = arith.fptosi %sub3A_1005 : vector<16xf32> to vector<16xi32>
      %add3A_1041 = arith.constant 127 : i32
      %add3A_1042 = vector.broadcast %add3A_1041 : i32 to vector<16xi32>
      %add3A_1043 = arith.addi %convert_element_type3A_1040, %add3A_1042 : vector<16xi32>
      %shift_left3A_1044 = arith.constant 23 : i32
      %shift_left3A_1045 = vector.broadcast %shift_left3A_1044 : i32 to vector<16xi32>
      %shift_left3A_1046 = arith.shli %add3A_1043, %shift_left3A_1045 : vector<16xi32>
      %bitcast3A_1047 = vector.bitcast %shift_left3A_1046 : vector<16xi32> to vector<16xf32>
      %mul3A_1048 = arith.mulf %add3A_1039, %bitcast3A_1047 : vector<16xf32>
      %sub3A_1049 = arith.constant 1.000000e+00 : f32
      %sub3A_1050 = vector.broadcast %sub3A_1049 : f32 to vector<16xf32>
      %sub3A_1051 = arith.subf %mul3A_1048, %sub3A_1050 : vector<16xf32>
      %select_n3A_1052 = arith.select %gt3A_990, %add3A_987, %sub3A_1051 : vector<16xi1>, vector<16xf32>
      %bitcast3A_1053 = vector.bitcast %select_n3A_1052 : vector<16xf32> to vector<16xi32>
      %add3A_1054 = arith.constant 32767 : i32
      %add3A_1055 = vector.broadcast %add3A_1054 : i32 to vector<16xi32>
      %add3A_1056 = arith.addi %bitcast3A_1053, %add3A_1055 : vector<16xi32>
      %shift_right_logical3A_1057 = arith.constant 16 : i32
      %shift_right_logical3A_1058 = vector.broadcast %shift_right_logical3A_1057 : i32 to vector<16xi32>
      %shift_right_logical3A_1059 = arith.shrui %bitcast3A_1053, %shift_right_logical3A_1058 : vector<16xi32>
      %and3A_1060 = arith.constant 1 : i32
      %and3A_1061 = vector.broadcast %and3A_1060 : i32 to vector<16xi32>
      %and3A_1062 = arith.andi %shift_right_logical3A_1059, %and3A_1061 : vector<16xi32>
      %add3A_1063 = arith.addi %add3A_1056, %and3A_1062 : vector<16xi32>
      %and3A_1064 = arith.constant -65536 : i32
      %and3A_1065 = vector.broadcast %and3A_1064 : i32 to vector<16xi32>
      %and3A_1066 = arith.andi %add3A_1063, %and3A_1065 : vector<16xi32>
      %bitcast3A_1067 = vector.bitcast %and3A_1066 : vector<16xi32> to vector<16xf32>
      %get3A_1068 = arith.constant 8 : i32
      %get3A_1069 = arith.index_cast %get3A_1068 : i32 to index
      %get3A_1070 = arith.constant 0 : index
      %get3A_1071 = tpu.vector_load %arg6[%get3A_1069, %get3A_1070] {strides = array<i32>} : memref<16x16xf32, #tpu.memory_space<vmem>>, vector<16xf32>,
      %slice3A_1072 = vector.extract_strided_slice %get3A_15 {offsets = [14], sizes = [1], strides = [1]} : vector<16xf32> to vector<1xf32>
      %squeeze3A_1073 = vector.extract %slice3A_1072[0] : f32 from vector<1xf32>
      %add3A_1074 = vector.broadcast %squeeze3A_1073 : f32 to vector<16xf32>
      %add3A_1075 = arith.addf %get3A_1071, %add3A_1074 : vector<16xf32>
      %gt3A_1076 = arith.constant 0.000000e+00 : f32
      %gt3A_1077 = vector.broadcast %gt3A_1076 : f32 to vector<16xf32>
      %gt3A_1078 = arith.cmpf ogt, %add3A_1075, %gt3A_1077 : vector<16xf32>
      %max3A_1079 = arith.constant -8.700000e+01 : f32
      %max3A_1080 = vector.broadcast %max3A_1079 : f32 to vector<16xf32>
      %max3A_1081 = arith.maximumf %add3A_1075, %max3A_1080 : vector<16xf32>
      %min3A_1082 = arith.constant 8.800000e+01 : f32
      %min3A_1083 = vector.broadcast %min3A_1082 : f32 to vector<16xf32>
      %min3A_1084 = arith.minimumf %max3A_1081, %min3A_1083 : vector<16xf32>
      %mul3A_1085 = arith.constant 1.44269502 : f32
      %mul3A_1086 = vector.broadcast %mul3A_1085 : f32 to vector<16xf32>
      %mul3A_1087 = arith.mulf %min3A_1084, %mul3A_1086 : vector<16xf32>
      %add3A_1088 = arith.constant 0x4B400000 : f32
      %add3A_1089 = vector.broadcast %add3A_1088 : f32 to vector<16xf32>
      %add3A_1090 = arith.addf %mul3A_1087, %add3A_1089 : vector<16xf32>
      %sub3A_1091 = arith.constant 0x4B400000 : f32
      %sub3A_1092 = vector.broadcast %sub3A_1091 : f32 to vector<16xf32>
      %sub3A_1093 = arith.subf %add3A_1090, %sub3A_1092 : vector<16xf32>
      %mul3A_1094 = arith.constant 0.693359375 : f32
      %mul3A_1095 = vector.broadcast %mul3A_1094 : f32 to vector<16xf32>
      %mul3A_1096 = arith.mulf %sub3A_1093, %mul3A_1095 : vector<16xf32>
      %sub3A_1097 = arith.subf %min3A_1084, %mul3A_1096 : vector<16xf32>
      %mul3A_1098 = arith.constant -2.12194442E-4 : f32
      %mul3A_1099 = vector.broadcast %mul3A_1098 : f32 to vector<16xf32>
      %mul3A_1100 = arith.mulf %sub3A_1093, %mul3A_1099 : vector<16xf32>
      %sub3A_1101 = arith.subf %sub3A_1097, %mul3A_1100 : vector<16xf32>
      %mul3A_1102 = arith.constant 0.00138888892 : f32
      %mul3A_1103 = vector.broadcast %mul3A_1102 : f32 to vector<16xf32>
      %mul3A_1104 = arith.mulf %mul3A_1103, %sub3A_1101 : vector<16xf32>
      %add3A_1105 = arith.constant 0.00833333377 : f32
      %add3A_1106 = vector.broadcast %add3A_1105 : f32 to vector<16xf32>
      %add3A_1107 = arith.addf %mul3A_1104, %add3A_1106 : vector<16xf32>
      %mul3A_1108 = arith.mulf %add3A_1107, %sub3A_1101 : vector<16xf32>
      %add3A_1109 = arith.constant 0.0416666679 : f32
      %add3A_1110 = vector.broadcast %add3A_1109 : f32 to vector<16xf32>
      %add3A_1111 = arith.addf %mul3A_1108, %add3A_1110 : vector<16xf32>
      %mul3A_1112 = arith.mulf %add3A_1111, %sub3A_1101 : vector<16xf32>
      %add3A_1113 = arith.constant 0.166666672 : f32
      %add3A_1114 = vector.broadcast %add3A_1113 : f32 to vector<16xf32>
      %add3A_1115 = arith.addf %mul3A_1112, %add3A_1114 : vector<16xf32>
      %mul3A_1116 = arith.mulf %add3A_1115, %sub3A_1101 : vector<16xf32>
      %add3A_1117 = arith.constant 5.000000e-01 : f32
      %add3A_1118 = vector.broadcast %add3A_1117 : f32 to vector<16xf32>
      %add3A_1119 = arith.addf %mul3A_1116, %add3A_1118 : vector<16xf32>
      %mul3A_1120 = arith.mulf %add3A_1119, %sub3A_1101 : vector<16xf32>
      %add3A_1121 = arith.constant 1.000000e+00 : f32
      %add3A_1122 = vector.broadcast %add3A_1121 : f32 to vector<16xf32>
      %add3A_1123 = arith.addf %mul3A_1120, %add3A_1122 : vector<16xf32>
      %mul3A_1124 = arith.mulf %add3A_1123, %sub3A_1101 : vector<16xf32>
      %add3A_1125 = arith.constant 1.000000e+00 : f32
      %add3A_1126 = vector.broadcast %add3A_1125 : f32 to vector<16xf32>
      %add3A_1127 = arith.addf %mul3A_1124, %add3A_1126 : vector<16xf32>
      %convert_element_type3A_1128 = arith.fptosi %sub3A_1093 : vector<16xf32> to vector<16xi32>
      %add3A_1129 = arith.constant 127 : i32
      %add3A_1130 = vector.broadcast %add3A_1129 : i32 to vector<16xi32>
      %add3A_1131 = arith.addi %convert_element_type3A_1128, %add3A_1130 : vector<16xi32>
      %shift_left3A_1132 = arith.constant 23 : i32
      %shift_left3A_1133 = vector.broadcast %shift_left3A_1132 : i32 to vector<16xi32>
      %shift_left3A_1134 = arith.shli %add3A_1131, %shift_left3A_1133 : vector<16xi32>
      %bitcast3A_1135 = vector.bitcast %shift_left3A_1134 : vector<16xi32> to vector<16xf32>
      %mul3A_1136 = arith.mulf %add3A_1127, %bitcast3A_1135 : vector<16xf32>
      %sub3A_1137 = arith.constant 1.000000e+00 : f32
      %sub3A_1138 = vector.broadcast %sub3A_1137 : f32 to vector<16xf32>
      %sub3A_1139 = arith.subf %mul3A_1136, %sub3A_1138 : vector<16xf32>
      %select_n3A_1140 = arith.select %gt3A_1078, %add3A_1075, %sub3A_1139 : vector<16xi1>, vector<16xf32>
      %bitcast3A_1141 = vector.bitcast %select_n3A_1140 : vector<16xf32> to vector<16xi32>
      %add3A_1142 = arith.constant 32767 : i32
      %add3A_1143 = vector.broadcast %add3A_1142 : i32 to vector<16xi32>
      %add3A_1144 = arith.addi %bitcast3A_1141, %add3A_1143 : vector<16xi32>
      %shift_right_logical3A_1145 = arith.constant 16 : i32
      %shift_right_logical3A_1146 = vector.broadcast %shift_right_logical3A_1145 : i32 to vector<16xi32>
      %shift_right_logical3A_1147 = arith.shrui %bitcast3A_1141, %shift_right_logical3A_1146 : vector<16xi32>
      %and3A_1148 = arith.constant 1 : i32
      %and3A_1149 = vector.broadcast %and3A_1148 : i32 to vector<16xi32>
      %and3A_1150 = arith.andi %shift_right_logical3A_1147, %and3A_1149 : vector<16xi32>
      %add3A_1151 = arith.addi %add3A_1144, %and3A_1150 : vector<16xi32>
      %and3A_1152 = arith.constant -65536 : i32
      %and3A_1153 = vector.broadcast %and3A_1152 : i32 to vector<16xi32>
      %and3A_1154 = arith.andi %add3A_1151, %and3A_1153 : vector<16xi32>
      %bitcast3A_1155 = vector.bitcast %and3A_1154 : vector<16xi32> to vector<16xf32>
      %get3A_1156 = arith.constant 9 : i32
      %get3A_1157 = arith.index_cast %get3A_1156 : i32 to index
      %get3A_1158 = arith.constant 0 : index
      %get3A_1159 = tpu.vector_load %arg6[%get3A_1157, %get3A_1158] {strides = array<i32>} : memref<16x16xf32, #tpu.memory_space<vmem>>, vector<16xf32>,
      %slice3A_1160 = vector.extract_strided_slice %get3A_15 {offsets = [15], sizes = [1], strides = [1]} : vector<16xf32> to vector<1xf32>
      %squeeze3A_1161 = vector.extract %slice3A_1160[0] : f32 from vector<1xf32>
      %add3A_1162 = vector.broadcast %squeeze3A_1161 : f32 to vector<16xf32>
      %add3A_1163 = arith.addf %get3A_1159, %add3A_1162 : vector<16xf32>
      %gt3A_1164 = arith.constant 0.000000e+00 : f32
      %gt3A_1165 = vector.broadcast %gt3A_1164 : f32 to vector<16xf32>
      %gt3A_1166 = arith.cmpf ogt, %add3A_1163, %gt3A_1165 : vector<16xf32>
      %max3A_1167 = arith.constant -8.700000e+01 : f32
      %max3A_1168 = vector.broadcast %max3A_1167 : f32 to vector<16xf32>
      %max3A_1169 = arith.maximumf %add3A_1163, %max3A_1168 : vector<16xf32>
      %min3A_1170 = arith.constant 8.800000e+01 : f32
      %min3A_1171 = vector.broadcast %min3A_1170 : f32 to vector<16xf32>
      %min3A_1172 = arith.minimumf %max3A_1169, %min3A_1171 : vector<16xf32>
      %mul3A_1173 = arith.constant 1.44269502 : f32
      %mul3A_1174 = vector.broadcast %mul3A_1173 : f32 to vector<16xf32>
      %mul3A_1175 = arith.mulf %min3A_1172, %mul3A_1174 : vector<16xf32>
      %add3A_1176 = arith.constant 0x4B400000 : f32
      %add3A_1177 = vector.broadcast %add3A_1176 : f32 to vector<16xf32>
      %add3A_1178 = arith.addf %mul3A_1175, %add3A_1177 : vector<16xf32>
      %sub3A_1179 = arith.constant 0x4B400000 : f32
      %sub3A_1180 = vector.broadcast %sub3A_1179 : f32 to vector<16xf32>
      %sub3A_1181 = arith.subf %add3A_1178, %sub3A_1180 : vector<16xf32>
      %mul3A_1182 = arith.constant 0.693359375 : f32
      %mul3A_1183 = vector.broadcast %mul3A_1182 : f32 to vector<16xf32>
      %mul3A_1184 = arith.mulf %sub3A_1181, %mul3A_1183 : vector<16xf32>
      %sub3A_1185 = arith.subf %min3A_1172, %mul3A_1184 : vector<16xf32>
      %mul3A_1186 = arith.constant -2.12194442E-4 : f32
      %mul3A_1187 = vector.broadcast %mul3A_1186 : f32 to vector<16xf32>
      %mul3A_1188 = arith.mulf %sub3A_1181, %mul3A_1187 : vector<16xf32>
      %sub3A_1189 = arith.subf %sub3A_1185, %mul3A_1188 : vector<16xf32>
      %mul3A_1190 = arith.constant 0.00138888892 : f32
      %mul3A_1191 = vector.broadcast %mul3A_1190 : f32 to vector<16xf32>
      %mul3A_1192 = arith.mulf %mul3A_1191, %sub3A_1189 : vector<16xf32>
      %add3A_1193 = arith.constant 0.00833333377 : f32
      %add3A_1194 = vector.broadcast %add3A_1193 : f32 to vector<16xf32>
      %add3A_1195 = arith.addf %mul3A_1192, %add3A_1194 : vector<16xf32>
      %mul3A_1196 = arith.mulf %add3A_1195, %sub3A_1189 : vector<16xf32>
      %add3A_1197 = arith.constant 0.0416666679 : f32
      %add3A_1198 = vector.broadcast %add3A_1197 : f32 to vector<16xf32>
      %add3A_1199 = arith.addf %mul3A_1196, %add3A_1198 : vector<16xf32>
      %mul3A_1200 = arith.mulf %add3A_1199, %sub3A_1189 : vector<16xf32>
      %add3A_1201 = arith.constant 0.166666672 : f32
      %add3A_1202 = vector.broadcast %add3A_1201 : f32 to vector<16xf32>
      %add3A_1203 = arith.addf %mul3A_1200, %add3A_1202 : vector<16xf32>
      %mul3A_1204 = arith.mulf %add3A_1203, %sub3A_1189 : vector<16xf32>
      %add3A_1205 = arith.constant 5.000000e-01 : f32
      %add3A_1206 = vector.broadcast %add3A_1205 : f32 to vector<16xf32>
      %add3A_1207 = arith.addf %mul3A_1204, %add3A_1206 : vector<16xf32>
      %mul3A_1208 = arith.mulf %add3A_1207, %sub3A_1189 : vector<16xf32>
      %add3A_1209 = arith.constant 1.000000e+00 : f32
      %add3A_1210 = vector.broadcast %add3A_1209 : f32 to vector<16xf32>
      %add3A_1211 = arith.addf %mul3A_1208, %add3A_1210 : vector<16xf32>
      %mul3A_1212 = arith.mulf %add3A_1211, %sub3A_1189 : vector<16xf32>
      %add3A_1213 = arith.constant 1.000000e+00 : f32
      %add3A_1214 = vector.broadcast %add3A_1213 : f32 to vector<16xf32>
      %add3A_1215 = arith.addf %mul3A_1212, %add3A_1214 : vector<16xf32>
      %convert_element_type3A_1216 = arith.fptosi %sub3A_1181 : vector<16xf32> to vector<16xi32>
      %add3A_1217 = arith.constant 127 : i32
      %add3A_1218 = vector.broadcast %add3A_1217 : i32 to vector<16xi32>
      %add3A_1219 = arith.addi %convert_element_type3A_1216, %add3A_1218 : vector<16xi32>
      %shift_left3A_1220 = arith.constant 23 : i32
      %shift_left3A_1221 = vector.broadcast %shift_left3A_1220 : i32 to vector<16xi32>
      %shift_left3A_1222 = arith.shli %add3A_1219, %shift_left3A_1221 : vector<16xi32>
      %bitcast3A_1223 = vector.bitcast %shift_left3A_1222 : vector<16xi32> to vector<16xf32>
      %mul3A_1224 = arith.mulf %add3A_1215, %bitcast3A_1223 : vector<16xf32>
      %sub3A_1225 = arith.constant 1.000000e+00 : f32
      %sub3A_1226 = vector.broadcast %sub3A_1225 : f32 to vector<16xf32>
      %sub3A_1227 = arith.subf %mul3A_1224, %sub3A_1226 : vector<16xf32>
      %select_n3A_1228 = arith.select %gt3A_1166, %add3A_1163, %sub3A_1227 : vector<16xi1>, vector<16xf32>
      %bitcast3A_1229 = vector.bitcast %select_n3A_1228 : vector<16xf32> to vector<16xi32>
      %add3A_1230 = arith.constant 32767 : i32
      %add3A_1231 = vector.broadcast %add3A_1230 : i32 to vector<16xi32>
      %add3A_1232 = arith.addi %bitcast3A_1229, %add3A_1231 : vector<16xi32>
      %shift_right_logical3A_1233 = arith.constant 16 : i32
      %shift_right_logical3A_1234 = vector.broadcast %shift_right_logical3A_1233 : i32 to vector<16xi32>
      %shift_right_logical3A_1235 = arith.shrui %bitcast3A_1229, %shift_right_logical3A_1234 : vector<16xi32>
      %and3A_1236 = arith.constant 1 : i32
      %and3A_1237 = vector.broadcast %and3A_1236 : i32 to vector<16xi32>
      %and3A_1238 = arith.andi %shift_right_logical3A_1235, %and3A_1237 : vector<16xi32>
      %add3A_1239 = arith.addi %add3A_1232, %and3A_1238 : vector<16xi32>
      %and3A_1240 = arith.constant -65536 : i32
      %and3A_1241 = vector.broadcast %and3A_1240 : i32 to vector<16xi32>
      %and3A_1242 = arith.andi %add3A_1239, %and3A_1241 : vector<16xi32>
      %bitcast3A_1243 = vector.bitcast %and3A_1242 : vector<16xi32> to vector<16xf32>
      %slice3A_1244 = vector.extract_strided_slice %bitcast3A_82 {offsets = [0], sizes = [1], strides = [1]} : vector<16xf32> to vector<1xf32>
      %squeeze3A_1245 = vector.extract %slice3A_1244[0] : f32 from vector<1xf32>
      %mul3A_1246 = vector.broadcast %squeeze3A_1245 : f32 to vector<16xf32>
      %mul3A_1247 = arith.mulf %bitcast3A_627, %mul3A_1246 : vector<16xf32>
      %slice3A_1248 = vector.extract_strided_slice %bitcast3A_97 {offsets = [0], sizes = [1], strides = [1]} : vector<16xf32> to vector<1xf32>
      %squeeze3A_1249 = vector.extract %slice3A_1248[0] : f32 from vector<1xf32>
      %mul3A_1250 = vector.broadcast %squeeze3A_1249 : f32 to vector<16xf32>
      %mul3A_1251 = arith.mulf %bitcast3A_627, %mul3A_1250 : vector<16xf32>
      %slice3A_1252 = vector.extract_strided_slice %bitcast3A_82 {offsets = [1], sizes = [1], strides = [1]} : vector<16xf32> to vector<1xf32>
      %squeeze3A_1253 = vector.extract %slice3A_1252[0] : f32 from vector<1xf32>
      %mul3A_1254 = vector.broadcast %squeeze3A_1253 : f32 to vector<16xf32>
      %mul3A_1255 = arith.mulf %bitcast3A_715, %mul3A_1254 : vector<16xf32>
      %add3A_1256 = arith.addf %mul3A_1247, %mul3A_1255 : vector<16xf32>
      %slice3A_1257 = vector.extract_strided_slice %bitcast3A_97 {offsets = [1], sizes = [1], strides = [1]} : vector<16xf32> to vector<1xf32>
      %squeeze3A_1258 = vector.extract %slice3A_1257[0] : f32 from vector<1xf32>
      %mul3A_1259 = vector.broadcast %squeeze3A_1258 : f32 to vector<16xf32>
      %mul3A_1260 = arith.mulf %bitcast3A_715, %mul3A_1259 : vector<16xf32>
      %add3A_1261 = arith.addf %mul3A_1251, %mul3A_1260 : vector<16xf32>
      %slice3A_1262 = vector.extract_strided_slice %bitcast3A_82 {offsets = [2], sizes = [1], strides = [1]} : vector<16xf32> to vector<1xf32>
      %squeeze3A_1263 = vector.extract %slice3A_1262[0] : f32 from vector<1xf32>
      %mul3A_1264 = vector.broadcast %squeeze3A_1263 : f32 to vector<16xf32>
      %mul3A_1265 = arith.mulf %bitcast3A_803, %mul3A_1264 : vector<16xf32>
      %add3A_1266 = arith.addf %add3A_1256, %mul3A_1265 : vector<16xf32>
      %slice3A_1267 = vector.extract_strided_slice %bitcast3A_97 {offsets = [2], sizes = [1], strides = [1]} : vector<16xf32> to vector<1xf32>
      %squeeze3A_1268 = vector.extract %slice3A_1267[0] : f32 from vector<1xf32>
      %mul3A_1269 = vector.broadcast %squeeze3A_1268 : f32 to vector<16xf32>
      %mul3A_1270 = arith.mulf %bitcast3A_803, %mul3A_1269 : vector<16xf32>
      %add3A_1271 = arith.addf %add3A_1261, %mul3A_1270 : vector<16xf32>
      %slice3A_1272 = vector.extract_strided_slice %bitcast3A_82 {offsets = [3], sizes = [1], strides = [1]} : vector<16xf32> to vector<1xf32>
      %squeeze3A_1273 = vector.extract %slice3A_1272[0] : f32 from vector<1xf32>
      %mul3A_1274 = vector.broadcast %squeeze3A_1273 : f32 to vector<16xf32>
      %mul3A_1275 = arith.mulf %bitcast3A_891, %mul3A_1274 : vector<16xf32>
      %add3A_1276 = arith.addf %add3A_1266, %mul3A_1275 : vector<16xf32>
      %slice3A_1277 = vector.extract_strided_slice %bitcast3A_97 {offsets = [3], sizes = [1], strides = [1]} : vector<16xf32> to vector<1xf32>
      %squeeze3A_1278 = vector.extract %slice3A_1277[0] : f32 from vector<1xf32>
      %mul3A_1279 = vector.broadcast %squeeze3A_1278 : f32 to vector<16xf32>
      %mul3A_1280 = arith.mulf %bitcast3A_891, %mul3A_1279 : vector<16xf32>
      %add3A_1281 = arith.addf %add3A_1271, %mul3A_1280 : vector<16xf32>
      %slice3A_1282 = vector.extract_strided_slice %bitcast3A_82 {offsets = [4], sizes = [1], strides = [1]} : vector<16xf32> to vector<1xf32>
      %squeeze3A_1283 = vector.extract %slice3A_1282[0] : f32 from vector<1xf32>
      %mul3A_1284 = vector.broadcast %squeeze3A_1283 : f32 to vector<16xf32>
      %mul3A_1285 = arith.mulf %bitcast3A_979, %mul3A_1284 : vector<16xf32>
      %add3A_1286 = arith.addf %add3A_1276, %mul3A_1285 : vector<16xf32>
      %slice3A_1287 = vector.extract_strided_slice %bitcast3A_97 {offsets = [4], sizes = [1], strides = [1]} : vector<16xf32> to vector<1xf32>
      %squeeze3A_1288 = vector.extract %slice3A_1287[0] : f32 from vector<1xf32>
      %mul3A_1289 = vector.broadcast %squeeze3A_1288 : f32 to vector<16xf32>
      %mul3A_1290 = arith.mulf %bitcast3A_979, %mul3A_1289 : vector<16xf32>
      %add3A_1291 = arith.addf %add3A_1281, %mul3A_1290 : vector<16xf32>
      %slice3A_1292 = vector.extract_strided_slice %bitcast3A_82 {offsets = [5], sizes = [1], strides = [1]} : vector<16xf32> to vector<1xf32>
      %squeeze3A_1293 = vector.extract %slice3A_1292[0] : f32 from vector<1xf32>
      %mul3A_1294 = vector.broadcast %squeeze3A_1293 : f32 to vector<16xf32>
      %mul3A_1295 = arith.mulf %bitcast3A_1067, %mul3A_1294 : vector<16xf32>
      %add3A_1296 = arith.addf %add3A_1286, %mul3A_1295 : vector<16xf32>
      %slice3A_1297 = vector.extract_strided_slice %bitcast3A_97 {offsets = [5], sizes = [1], strides = [1]} : vector<16xf32> to vector<1xf32>
      %squeeze3A_1298 = vector.extract %slice3A_1297[0] : f32 from vector<1xf32>
      %mul3A_1299 = vector.broadcast %squeeze3A_1298 : f32 to vector<16xf32>
      %mul3A_1300 = arith.mulf %bitcast3A_1067, %mul3A_1299 : vector<16xf32>
      %add3A_1301 = arith.addf %add3A_1291, %mul3A_1300 : vector<16xf32>
      %slice3A_1302 = vector.extract_strided_slice %bitcast3A_82 {offsets = [6], sizes = [1], strides = [1]} : vector<16xf32> to vector<1xf32>
      %squeeze3A_1303 = vector.extract %slice3A_1302[0] : f32 from vector<1xf32>
      %mul3A_1304 = vector.broadcast %squeeze3A_1303 : f32 to vector<16xf32>
      %mul3A_1305 = arith.mulf %bitcast3A_1155, %mul3A_1304 : vector<16xf32>
      %add3A_1306 = arith.addf %add3A_1296, %mul3A_1305 : vector<16xf32>
      %slice3A_1307 = vector.extract_strided_slice %bitcast3A_97 {offsets = [6], sizes = [1], strides = [1]} : vector<16xf32> to vector<1xf32>
      %squeeze3A_1308 = vector.extract %slice3A_1307[0] : f32 from vector<1xf32>
      %mul3A_1309 = vector.broadcast %squeeze3A_1308 : f32 to vector<16xf32>
      %mul3A_1310 = arith.mulf %bitcast3A_1155, %mul3A_1309 : vector<16xf32>
      %add3A_1311 = arith.addf %add3A_1301, %mul3A_1310 : vector<16xf32>
      %slice3A_1312 = vector.extract_strided_slice %bitcast3A_82 {offsets = [7], sizes = [1], strides = [1]} : vector<16xf32> to vector<1xf32>
      %squeeze3A_1313 = vector.extract %slice3A_1312[0] : f32 from vector<1xf32>
      %mul3A_1314 = vector.broadcast %squeeze3A_1313 : f32 to vector<16xf32>
      %mul3A_1315 = arith.mulf %bitcast3A_1243, %mul3A_1314 : vector<16xf32>
      %add3A_1316 = arith.addf %add3A_1306, %mul3A_1315 : vector<16xf32>
      %slice3A_1317 = vector.extract_strided_slice %bitcast3A_97 {offsets = [7], sizes = [1], strides = [1]} : vector<16xf32> to vector<1xf32>
      %squeeze3A_1318 = vector.extract %slice3A_1317[0] : f32 from vector<1xf32>
      %mul3A_1319 = vector.broadcast %squeeze3A_1318 : f32 to vector<16xf32>
      %mul3A_1320 = arith.mulf %bitcast3A_1243, %mul3A_1319 : vector<16xf32>
      %add3A_1321 = arith.addf %add3A_1311, %mul3A_1320 : vector<16xf32>
      %slice3A_1322 = vector.extract_strided_slice %get3A_21 {offsets = [0], sizes = [1], strides = [1]} : vector<16xf32> to vector<1xf32>
      %squeeze3A_1323 = vector.extract %slice3A_1322[0] : f32 from vector<1xf32>
      %add3A_1324 = vector.broadcast %squeeze3A_1323 : f32 to vector<16xf32>
      %add3A_1325 = arith.addf %add3A_1316, %add3A_1324 : vector<16xf32>
      %swap3A_1326 = arith.constant 4 : i32
      %swap3A_1327 = arith.index_cast %swap3A_1326 : i32 to index
      %swap3A_1328 = arith.constant 0 : index
      %swap3A_1329 = tpu.vector_load %arg5[%swap3A_1327, %swap3A_1328] {strides = array<i32>} : memref<16x16xf32, #tpu.memory_space<vmem>>, vector<16xf32>,
      tpu.vector_store %arg5[%swap3A_1327, %swap3A_1328], %add3A_1325 {strides = array<i32>} : memref<16x16xf32, #tpu.memory_space<vmem>>, vector<16xf32>,
      %slice3A_1330 = vector.extract_strided_slice %get3A_21 {offsets = [2], sizes = [1], strides = [1]} : vector<16xf32> to vector<1xf32>
      %squeeze3A_1331 = vector.extract %slice3A_1330[0] : f32 from vector<1xf32>
      %add3A_1332 = vector.broadcast %squeeze3A_1331 : f32 to vector<16xf32>
      %add3A_1333 = arith.addf %add3A_1321, %add3A_1332 : vector<16xf32>
      %swap3A_1334 = arith.constant 6 : i32
      %swap3A_1335 = arith.index_cast %swap3A_1334 : i32 to index
      %swap3A_1336 = arith.constant 0 : index
      %swap3A_1337 = tpu.vector_load %arg5[%swap3A_1335, %swap3A_1336] {strides = array<i32>} : memref<16x16xf32, #tpu.memory_space<vmem>>, vector<16xf32>,
      tpu.vector_store %arg5[%swap3A_1335, %swap3A_1336], %add3A_1333 {strides = array<i32>} : memref<16x16xf32, #tpu.memory_space<vmem>>, vector<16xf32>,
      %slice3A_1338 = vector.extract_strided_slice %bitcast3A_82 {offsets = [8], sizes = [1], strides = [1]} : vector<16xf32> to vector<1xf32>
      %squeeze3A_1339 = vector.extract %slice3A_1338[0] : f32 from vector<1xf32>
      %mul3A_1340 = vector.broadcast %squeeze3A_1339 : f32 to vector<16xf32>
      %mul3A_1341 = arith.mulf %bitcast3A_627, %mul3A_1340 : vector<16xf32>
      %slice3A_1342 = vector.extract_strided_slice %bitcast3A_97 {offsets = [8], sizes = [1], strides = [1]} : vector<16xf32> to vector<1xf32>
      %squeeze3A_1343 = vector.extract %slice3A_1342[0] : f32 from vector<1xf32>
      %mul3A_1344 = vector.broadcast %squeeze3A_1343 : f32 to vector<16xf32>
      %mul3A_1345 = arith.mulf %bitcast3A_627, %mul3A_1344 : vector<16xf32>
      %slice3A_1346 = vector.extract_strided_slice %bitcast3A_82 {offsets = [9], sizes = [1], strides = [1]} : vector<16xf32> to vector<1xf32>
      %squeeze3A_1347 = vector.extract %slice3A_1346[0] : f32 from vector<1xf32>
      %mul3A_1348 = vector.broadcast %squeeze3A_1347 : f32 to vector<16xf32>
      %mul3A_1349 = arith.mulf %bitcast3A_715, %mul3A_1348 : vector<16xf32>
      %add3A_1350 = arith.addf %mul3A_1341, %mul3A_1349 : vector<16xf32>
      %slice3A_1351 = vector.extract_strided_slice %bitcast3A_97 {offsets = [9], sizes = [1], strides = [1]} : vector<16xf32> to vector<1xf32>
      %squeeze3A_1352 = vector.extract %slice3A_1351[0] : f32 from vector<1xf32>
      %mul3A_1353 = vector.broadcast %squeeze3A_1352 : f32 to vector<16xf32>
      %mul3A_1354 = arith.mulf %bitcast3A_715, %mul3A_1353 : vector<16xf32>
      %add3A_1355 = arith.addf %mul3A_1345, %mul3A_1354 : vector<16xf32>
      %slice3A_1356 = vector.extract_strided_slice %bitcast3A_82 {offsets = [10], sizes = [1], strides = [1]} : vector<16xf32> to vector<1xf32>
      %squeeze3A_1357 = vector.extract %slice3A_1356[0] : f32 from vector<1xf32>
      %mul3A_1358 = vector.broadcast %squeeze3A_1357 : f32 to vector<16xf32>
      %mul3A_1359 = arith.mulf %bitcast3A_803, %mul3A_1358 : vector<16xf32>
      %add3A_1360 = arith.addf %add3A_1350, %mul3A_1359 : vector<16xf32>
      %slice3A_1361 = vector.extract_strided_slice %bitcast3A_97 {offsets = [10], sizes = [1], strides = [1]} : vector<16xf32> to vector<1xf32>
      %squeeze3A_1362 = vector.extract %slice3A_1361[0] : f32 from vector<1xf32>
      %mul3A_1363 = vector.broadcast %squeeze3A_1362 : f32 to vector<16xf32>
      %mul3A_1364 = arith.mulf %bitcast3A_803, %mul3A_1363 : vector<16xf32>
      %add3A_1365 = arith.addf %add3A_1355, %mul3A_1364 : vector<16xf32>
      %slice3A_1366 = vector.extract_strided_slice %bitcast3A_82 {offsets = [11], sizes = [1], strides = [1]} : vector<16xf32> to vector<1xf32>
      %squeeze3A_1367 = vector.extract %slice3A_1366[0] : f32 from vector<1xf32>
      %mul3A_1368 = vector.broadcast %squeeze3A_1367 : f32 to vector<16xf32>
      %mul3A_1369 = arith.mulf %bitcast3A_891, %mul3A_1368 : vector<16xf32>
      %add3A_1370 = arith.addf %add3A_1360, %mul3A_1369 : vector<16xf32>
      %slice3A_1371 = vector.extract_strided_slice %bitcast3A_97 {offsets = [11], sizes = [1], strides = [1]} : vector<16xf32> to vector<1xf32>
      %squeeze3A_1372 = vector.extract %slice3A_1371[0] : f32 from vector<1xf32>
      %mul3A_1373 = vector.broadcast %squeeze3A_1372 : f32 to vector<16xf32>
      %mul3A_1374 = arith.mulf %bitcast3A_891, %mul3A_1373 : vector<16xf32>
      %add3A_1375 = arith.addf %add3A_1365, %mul3A_1374 : vector<16xf32>
      %slice3A_1376 = vector.extract_strided_slice %bitcast3A_82 {offsets = [12], sizes = [1], strides = [1]} : vector<16xf32> to vector<1xf32>
      %squeeze3A_1377 = vector.extract %slice3A_1376[0] : f32 from vector<1xf32>
      %mul3A_1378 = vector.broadcast %squeeze3A_1377 : f32 to vector<16xf32>
      %mul3A_1379 = arith.mulf %bitcast3A_979, %mul3A_1378 : vector<16xf32>
      %add3A_1380 = arith.addf %add3A_1370, %mul3A_1379 : vector<16xf32>
      %slice3A_1381 = vector.extract_strided_slice %bitcast3A_97 {offsets = [12], sizes = [1], strides = [1]} : vector<16xf32> to vector<1xf32>
      %squeeze3A_1382 = vector.extract %slice3A_1381[0] : f32 from vector<1xf32>
      %mul3A_1383 = vector.broadcast %squeeze3A_1382 : f32 to vector<16xf32>
      %mul3A_1384 = arith.mulf %bitcast3A_979, %mul3A_1383 : vector<16xf32>
      %add3A_1385 = arith.addf %add3A_1375, %mul3A_1384 : vector<16xf32>
      %slice3A_1386 = vector.extract_strided_slice %bitcast3A_82 {offsets = [13], sizes = [1], strides = [1]} : vector<16xf32> to vector<1xf32>
      %squeeze3A_1387 = vector.extract %slice3A_1386[0] : f32 from vector<1xf32>
      %mul3A_1388 = vector.broadcast %squeeze3A_1387 : f32 to vector<16xf32>
      %mul3A_1389 = arith.mulf %bitcast3A_1067, %mul3A_1388 : vector<16xf32>
      %add3A_1390 = arith.addf %add3A_1380, %mul3A_1389 : vector<16xf32>
      %slice3A_1391 = vector.extract_strided_slice %bitcast3A_97 {offsets = [13], sizes = [1], strides = [1]} : vector<16xf32> to vector<1xf32>
      %squeeze3A_1392 = vector.extract %slice3A_1391[0] : f32 from vector<1xf32>
      %mul3A_1393 = vector.broadcast %squeeze3A_1392 : f32 to vector<16xf32>
      %mul3A_1394 = arith.mulf %bitcast3A_1067, %mul3A_1393 : vector<16xf32>
      %add3A_1395 = arith.addf %add3A_1385, %mul3A_1394 : vector<16xf32>
      %slice3A_1396 = vector.extract_strided_slice %bitcast3A_82 {offsets = [14], sizes = [1], strides = [1]} : vector<16xf32> to vector<1xf32>
      %squeeze3A_1397 = vector.extract %slice3A_1396[0] : f32 from vector<1xf32>
      %mul3A_1398 = vector.broadcast %squeeze3A_1397 : f32 to vector<16xf32>
      %mul3A_1399 = arith.mulf %bitcast3A_1155, %mul3A_1398 : vector<16xf32>
      %add3A_1400 = arith.addf %add3A_1390, %mul3A_1399 : vector<16xf32>
      %slice3A_1401 = vector.extract_strided_slice %bitcast3A_97 {offsets = [14], sizes = [1], strides = [1]} : vector<16xf32> to vector<1xf32>
      %squeeze3A_1402 = vector.extract %slice3A_1401[0] : f32 from vector<1xf32>
      %mul3A_1403 = vector.broadcast %squeeze3A_1402 : f32 to vector<16xf32>
      %mul3A_1404 = arith.mulf %bitcast3A_1155, %mul3A_1403 : vector<16xf32>
      %add3A_1405 = arith.addf %add3A_1395, %mul3A_1404 : vector<16xf32>
      %slice3A_1406 = vector.extract_strided_slice %bitcast3A_82 {offsets = [15], sizes = [1], strides = [1]} : vector<16xf32> to vector<1xf32>
      %squeeze3A_1407 = vector.extract %slice3A_1406[0] : f32 from vector<1xf32>
      %mul3A_1408 = vector.broadcast %squeeze3A_1407 : f32 to vector<16xf32>
      %mul3A_1409 = arith.mulf %bitcast3A_1243, %mul3A_1408 : vector<16xf32>
      %add3A_1410 = arith.addf %add3A_1400, %mul3A_1409 : vector<16xf32>
      %slice3A_1411 = vector.extract_strided_slice %bitcast3A_97 {offsets = [15], sizes = [1], strides = [1]} : vector<16xf32> to vector<1xf32>
      %squeeze3A_1412 = vector.extract %slice3A_1411[0] : f32 from vector<1xf32>
      %mul3A_1413 = vector.broadcast %squeeze3A_1412 : f32 to vector<16xf32>
      %mul3A_1414 = arith.mulf %bitcast3A_1243, %mul3A_1413 : vector<16xf32>
      %add3A_1415 = arith.addf %add3A_1405, %mul3A_1414 : vector<16xf32>
      %slice3A_1416 = vector.extract_strided_slice %get3A_21 {offsets = [1], sizes = [1], strides = [1]} : vector<16xf32> to vector<1xf32>
      %squeeze3A_1417 = vector.extract %slice3A_1416[0] : f32 from vector<1xf32>
      %add3A_1418 = vector.broadcast %squeeze3A_1417 : f32 to vector<16xf32>
      %add3A_1419 = arith.addf %add3A_1410, %add3A_1418 : vector<16xf32>
      %swap3A_1420 = arith.constant 5 : i32
      %swap3A_1421 = arith.index_cast %swap3A_1420 : i32 to index
      %swap3A_1422 = arith.constant 0 : index
      %swap3A_1423 = tpu.vector_load %arg5[%swap3A_1421, %swap3A_1422] {strides = array<i32>} : memref<16x16xf32, #tpu.memory_space<vmem>>, vector<16xf32>,
      tpu.vector_store %arg5[%swap3A_1421, %swap3A_1422], %add3A_1419 {strides = array<i32>} : memref<16x16xf32, #tpu.memory_space<vmem>>, vector<16xf32>,
      %slice3A_1424 = vector.extract_strided_slice %get3A_21 {offsets = [3], sizes = [1], strides = [1]} : vector<16xf32> to vector<1xf32>
      %squeeze3A_1425 = vector.extract %slice3A_1424[0] : f32 from vector<1xf32>
      %add3A_1426 = vector.broadcast %squeeze3A_1425 : f32 to vector<16xf32>
      %add3A_1427 = arith.addf %add3A_1415, %add3A_1426 : vector<16xf32>
      %swap3A_1428 = arith.constant 7 : i32
      %swap3A_1429 = arith.index_cast %swap3A_1428 : i32 to index
      %swap3A_1430 = arith.constant 0 : index
      %swap3A_1431 = tpu.vector_load %arg5[%swap3A_1429, %swap3A_1430] {strides = array<i32>} : memref<16x16xf32, #tpu.memory_space<vmem>>, vector<16xf32>,
      tpu.vector_store %arg5[%swap3A_1429, %swap3A_1430], %add3A_1427 {strides = array<i32>} : memref<16x16xf32, #tpu.memory_space<vmem>>, vector<16xf32>,
      %broadcast_in_dim3A_1432 = arith.constant 4 : i32
      %broadcast_in_dim3A_1433 = vector.broadcast %broadcast_in_dim3A_1432 : i32 to vector<16xi32>
      %gather3A_1434 = tpu.vector_load_idx %arg5[%broadcast_in_dim3A_1433, %bitcast3A_98] : memref<16x16xf32, #tpu.memory_space<vmem>>[vector<16xi32>, vector<16xi32>], vector<16xf32>,
      %broadcast_in_dim3A_1435 = arith.constant 5 : i32
      %broadcast_in_dim3A_1436 = vector.broadcast %broadcast_in_dim3A_1435 : i32 to vector<16xi32>
      %gather3A_1437 = tpu.vector_load_idx %arg5[%broadcast_in_dim3A_1436, %bitcast3A_98] : memref<16x16xf32, #tpu.memory_space<vmem>>[vector<16xi32>, vector<16xi32>], vector<16xf32>,
      %broadcast_in_dim3A_1438 = arith.constant 6 : i32
      %broadcast_in_dim3A_1439 = vector.broadcast %broadcast_in_dim3A_1438 : i32 to vector<16xi32>
      %gather3A_1440 = tpu.vector_load_idx %arg5[%broadcast_in_dim3A_1439, %bitcast3A_99] : memref<16x16xf32, #tpu.memory_space<vmem>>[vector<16xi32>, vector<16xi32>], vector<16xf32>,
      %broadcast_in_dim3A_1441 = arith.constant 7 : i32
      %broadcast_in_dim3A_1442 = vector.broadcast %broadcast_in_dim3A_1441 : i32 to vector<16xi32>
      %gather3A_1443 = tpu.vector_load_idx %arg5[%broadcast_in_dim3A_1442, %bitcast3A_99] : memref<16x16xf32, #tpu.memory_space<vmem>>[vector<16xi32>, vector<16xi32>], vector<16xf32>,
      %add3A_1444 = arith.addf %gather3A_1440, %gather3A_1434 : vector<16xf32>
      %gt3A_1445 = arith.constant 0.000000e+00 : f32
      %gt3A_1446 = vector.broadcast %gt3A_1445 : f32 to vector<16xf32>
      %gt3A_1447 = arith.cmpf ogt, %add3A_1444, %gt3A_1446 : vector<16xf32>
      %mul3A_1448 = arith.constant 2.000000e-01 : f32
      %mul3A_1449 = vector.broadcast %mul3A_1448 : f32 to vector<16xf32>
      %mul3A_1450 = arith.mulf %mul3A_1449, %add3A_1444 : vector<16xf32>
      %select_n3A_1451 = arith.select %gt3A_1447, %add3A_1444, %mul3A_1450 : vector<16xi1>, vector<16xf32>
      %add3A_1452 = arith.addf %gather3A_1443, %gather3A_1437 : vector<16xf32>
      %gt3A_1453 = arith.constant 0.000000e+00 : f32
      %gt3A_1454 = vector.broadcast %gt3A_1453 : f32 to vector<16xf32>
      %gt3A_1455 = arith.cmpf ogt, %add3A_1452, %gt3A_1454 : vector<16xf32>
      %mul3A_1456 = arith.constant 2.000000e-01 : f32
      %mul3A_1457 = vector.broadcast %mul3A_1456 : f32 to vector<16xf32>
      %mul3A_1458 = arith.mulf %mul3A_1457, %add3A_1452 : vector<16xf32>
      %select_n3A_1459 = arith.select %gt3A_1455, %add3A_1452, %mul3A_1458 : vector<16xi1>, vector<16xf32>
      %slice3A_1460 = vector.extract_strided_slice %get3A_21 {offsets = [4], sizes = [1], strides = [1]} : vector<16xf32> to vector<1xf32>
      %squeeze3A_1461 = vector.extract %slice3A_1460[0] : f32 from vector<1xf32>
      %mul3A_1462 = vector.broadcast %squeeze3A_1461 : f32 to vector<16xf32>
      %mul3A_1463 = arith.mulf %select_n3A_1451, %mul3A_1462 : vector<16xf32>
      %slice3A_1464 = vector.extract_strided_slice %get3A_21 {offsets = [5], sizes = [1], strides = [1]} : vector<16xf32> to vector<1xf32>
      %squeeze3A_1465 = vector.extract %slice3A_1464[0] : f32 from vector<1xf32>
      %mul3A_1466 = vector.broadcast %squeeze3A_1465 : f32 to vector<16xf32>
      %mul3A_1467 = arith.mulf %select_n3A_1459, %mul3A_1466 : vector<16xf32>
      %add3A_1468 = arith.addf %mul3A_1463, %mul3A_1467 : vector<16xf32>
      %jit3A_1469 = arith.constant -1.000000e+30 : f32
      %broadcast_in_dim3A_1470 = vector.broadcast %jit3A_1469 : f32 to vector<16xf32>
      %select_n3A_1471 = arith.select %lt3A_5, %add3A_1468, %broadcast_in_dim3A_1470 : vector<16xi1>, vector<16xf32>
      %reduce_max3A_1472 = arith.constant true
      %reduce_max3A_1473 = vector.broadcast %reduce_max3A_1472 : i1 to vector<16xi1>
      %reduce_max3A_1474 = tpu.scan <max>, %select_n3A_1471 masked %reduce_max3A_1473 : vector<16xf32>, vector<16xi1> -> vector<16xf32>
      %reduce_max3A_1475 = vector.extract %reduce_max3A_1474[15] : f32 from vector<16xf32>
      %sub3A_1476 = vector.broadcast %reduce_max3A_1475 : f32 to vector<16xf32>
      %sub3A_1477 = arith.subf %select_n3A_1471, %sub3A_1476 : vector<16xf32>
      %max3A_1478 = arith.constant -8.700000e+01 : f32
      %max3A_1479 = vector.broadcast %max3A_1478 : f32 to vector<16xf32>
      %max3A_1480 = arith.maximumf %sub3A_1477, %max3A_1479 : vector<16xf32>
      %min3A_1481 = arith.constant 8.800000e+01 : f32
      %min3A_1482 = vector.broadcast %min3A_1481 : f32 to vector<16xf32>
      %min3A_1483 = arith.minimumf %max3A_1480, %min3A_1482 : vector<16xf32>
      %mul3A_1484 = arith.constant 1.44269502 : f32
      %mul3A_1485 = vector.broadcast %mul3A_1484 : f32 to vector<16xf32>
      %mul3A_1486 = arith.mulf %min3A_1483, %mul3A_1485 : vector<16xf32>
      %add3A_1487 = arith.constant 0x4B400000 : f32
      %add3A_1488 = vector.broadcast %add3A_1487 : f32 to vector<16xf32>
      %add3A_1489 = arith.addf %mul3A_1486, %add3A_1488 : vector<16xf32>
      %sub3A_1490 = arith.constant 0x4B400000 : f32
      %sub3A_1491 = vector.broadcast %sub3A_1490 : f32 to vector<16xf32>
      %sub3A_1492 = arith.subf %add3A_1489, %sub3A_1491 : vector<16xf32>
      %mul3A_1493 = arith.constant 0.693359375 : f32
      %mul3A_1494 = vector.broadcast %mul3A_1493 : f32 to vector<16xf32>
      %mul3A_1495 = arith.mulf %sub3A_1492, %mul3A_1494 : vector<16xf32>
      %sub3A_1496 = arith.subf %min3A_1483, %mul3A_1495 : vector<16xf32>
      %mul3A_1497 = arith.constant -2.12194442E-4 : f32
      %mul3A_1498 = vector.broadcast %mul3A_1497 : f32 to vector<16xf32>
      %mul3A_1499 = arith.mulf %sub3A_1492, %mul3A_1498 : vector<16xf32>
      %sub3A_1500 = arith.subf %sub3A_1496, %mul3A_1499 : vector<16xf32>
      %mul3A_1501 = arith.constant 0.00138888892 : f32
      %mul3A_1502 = vector.broadcast %mul3A_1501 : f32 to vector<16xf32>
      %mul3A_1503 = arith.mulf %mul3A_1502, %sub3A_1500 : vector<16xf32>
      %add3A_1504 = arith.constant 0.00833333377 : f32
      %add3A_1505 = vector.broadcast %add3A_1504 : f32 to vector<16xf32>
      %add3A_1506 = arith.addf %mul3A_1503, %add3A_1505 : vector<16xf32>
      %mul3A_1507 = arith.mulf %add3A_1506, %sub3A_1500 : vector<16xf32>
      %add3A_1508 = arith.constant 0.0416666679 : f32
      %add3A_1509 = vector.broadcast %add3A_1508 : f32 to vector<16xf32>
      %add3A_1510 = arith.addf %mul3A_1507, %add3A_1509 : vector<16xf32>
      %mul3A_1511 = arith.mulf %add3A_1510, %sub3A_1500 : vector<16xf32>
      %add3A_1512 = arith.constant 0.166666672 : f32
      %add3A_1513 = vector.broadcast %add3A_1512 : f32 to vector<16xf32>
      %add3A_1514 = arith.addf %mul3A_1511, %add3A_1513 : vector<16xf32>
      %mul3A_1515 = arith.mulf %add3A_1514, %sub3A_1500 : vector<16xf32>
      %add3A_1516 = arith.constant 5.000000e-01 : f32
      %add3A_1517 = vector.broadcast %add3A_1516 : f32 to vector<16xf32>
      %add3A_1518 = arith.addf %mul3A_1515, %add3A_1517 : vector<16xf32>
      %mul3A_1519 = arith.mulf %add3A_1518, %sub3A_1500 : vector<16xf32>
      %add3A_1520 = arith.constant 1.000000e+00 : f32
      %add3A_1521 = vector.broadcast %add3A_1520 : f32 to vector<16xf32>
      %add3A_1522 = arith.addf %mul3A_1519, %add3A_1521 : vector<16xf32>
      %mul3A_1523 = arith.mulf %add3A_1522, %sub3A_1500 : vector<16xf32>
      %add3A_1524 = arith.constant 1.000000e+00 : f32
      %add3A_1525 = vector.broadcast %add3A_1524 : f32 to vector<16xf32>
      %add3A_1526 = arith.addf %mul3A_1523, %add3A_1525 : vector<16xf32>
      %convert_element_type3A_1527 = arith.fptosi %sub3A_1492 : vector<16xf32> to vector<16xi32>
      %add3A_1528 = arith.constant 127 : i32
      %add3A_1529 = vector.broadcast %add3A_1528 : i32 to vector<16xi32>
      %add3A_1530 = arith.addi %convert_element_type3A_1527, %add3A_1529 : vector<16xi32>
      %shift_left3A_1531 = arith.constant 23 : i32
      %shift_left3A_1532 = vector.broadcast %shift_left3A_1531 : i32 to vector<16xi32>
      %shift_left3A_1533 = arith.shli %add3A_1530, %shift_left3A_1532 : vector<16xi32>
      %bitcast3A_1534 = vector.bitcast %shift_left3A_1533 : vector<16xi32> to vector<16xf32>
      %mul3A_1535 = arith.mulf %add3A_1526, %bitcast3A_1534 : vector<16xf32>
      %broadcast_in_dim3A_1536 = arith.constant 10 : i32
      %broadcast_in_dim3A_1537 = vector.broadcast %broadcast_in_dim3A_1536 : i32 to vector<16xi32>
      tpu.vector_store_idx %arg6[%broadcast_in_dim3A_1537, %bitcast3A_99], %mul3A_1535 {add = true} : memref<16x16xf32, #tpu.memory_space<vmem>>[vector<16xi32>, vector<16xi32>], vector<16xf32>,
      %broadcast_in_dim3A_1538 = arith.constant 10 : i32
      %broadcast_in_dim3A_1539 = vector.broadcast %broadcast_in_dim3A_1538 : i32 to vector<16xi32>
      %gather3A_1540 = tpu.vector_load_idx %arg6[%broadcast_in_dim3A_1539, %bitcast3A_99] : memref<16x16xf32, #tpu.memory_space<vmem>>[vector<16xi32>, vector<16xi32>], vector<16xf32>,
      %add3A_1541 = arith.constant 1.000000e-16 : f32
      %add3A_1542 = vector.broadcast %add3A_1541 : f32 to vector<16xf32>
      %add3A_1543 = arith.addf %gather3A_1540, %add3A_1542 : vector<16xf32>
      %div3A_1544 = arith.constant 1.000000e+00 : f32
      %div3A_1545 = vector.broadcast %div3A_1544 : f32 to vector<16xf32>
      %div3A_1546 = arith.divf %div3A_1545, %add3A_1543 : vector<16xf32>
      %mul3A_1547 = arith.mulf %add3A_1543, %div3A_1546 : vector<16xf32>
      %sub3A_1548 = arith.constant 2.000000e+00 : f32
      %sub3A_1549 = vector.broadcast %sub3A_1548 : f32 to vector<16xf32>
      %sub3A_1550 = arith.subf %sub3A_1549, %mul3A_1547 : vector<16xf32>
      %mul3A_1551 = arith.mulf %div3A_1546, %sub3A_1550 : vector<16xf32>
      %mul3A_1552 = arith.mulf %mul3A_1535, %mul3A_1551 : vector<16xf32>
      %broadcast_in_dim3A_1553 = arith.constant 11 : i32
      %broadcast_in_dim3A_1554 = vector.broadcast %broadcast_in_dim3A_1553 : i32 to vector<16xi32>
      %mul3A_1555 = arith.mulf %mul3A_1552, %gather3A_1434 : vector<16xf32>
      tpu.vector_store_idx %arg6[%broadcast_in_dim3A_1554, %bitcast3A_99], %mul3A_1555 {add = true} : memref<16x16xf32, #tpu.memory_space<vmem>>[vector<16xi32>, vector<16xi32>], vector<16xf32>,
      %broadcast_in_dim3A_1556 = arith.constant 12 : i32
      %broadcast_in_dim3A_1557 = vector.broadcast %broadcast_in_dim3A_1556 : i32 to vector<16xi32>
      %mul3A_1558 = arith.mulf %mul3A_1552, %gather3A_1437 : vector<16xf32>
      tpu.vector_store_idx %arg6[%broadcast_in_dim3A_1557, %bitcast3A_99], %mul3A_1558 {add = true} : memref<16x16xf32, #tpu.memory_space<vmem>>[vector<16xi32>, vector<16xi32>], vector<16xf32>,
      %lt3A_1559 = arith.constant 4 : i32
      %lt3A_1560 = vector.broadcast %lt3A_1559 : i32 to vector<16xi32>
      %lt3A_1561 = arith.cmpi slt, %iota3A, %lt3A_1560 : vector<16xi32>
      %get3A_1562 = arith.constant 11 : i32
      %get3A_1563 = arith.index_cast %get3A_1562 : i32 to index
      %get3A_1564 = arith.constant 0 : index
      %get3A_1565 = tpu.vector_load %arg6[%get3A_1563, %get3A_1564] {strides = array<i32>} : memref<16x16xf32, #tpu.memory_space<vmem>>, vector<16xf32>,
      %slice3A_1566 = vector.extract_strided_slice %get3A_21 {offsets = [6], sizes = [1], strides = [1]} : vector<16xf32> to vector<1xf32>
      %squeeze3A_1567 = vector.extract %slice3A_1566[0] : f32 from vector<1xf32>
      %add3A_1568 = vector.broadcast %squeeze3A_1567 : f32 to vector<16xf32>
      %add3A_1569 = arith.addf %get3A_1565, %add3A_1568 : vector<16xf32>
      %and3A_1570 = arith.constant 3 : i32
      %and3A_1571 = vector.broadcast %and3A_1570 : i32 to vector<16xi32>
      %and3A_1572 = arith.andi %iota3A, %and3A_1571 : vector<16xi32>
      %broadcast_in_dim3A_1573 = arith.constant 0 : i32
      %broadcast_in_dim3A_1574 = vector.broadcast %broadcast_in_dim3A_1573 : i32 to vector<16xi32>
      tpu.vector_store_idx %arg7[%and3A_1572, %broadcast_in_dim3A_1574], %add3A_1569 masked %lt3A_1561 : memref<4x2xf32, #tpu.memory_space<vmem>>[vector<16xi32>, vector<16xi32>], vector<16xf32>, vector<16xi1>
      %get3A_1575 = arith.constant 12 : i32
      %get3A_1576 = arith.index_cast %get3A_1575 : i32 to index
      %get3A_1577 = arith.constant 0 : index
      %get3A_1578 = tpu.vector_load %arg6[%get3A_1576, %get3A_1577] {strides = array<i32>} : memref<16x16xf32, #tpu.memory_space<vmem>>, vector<16xf32>,
      %slice3A_1579 = vector.extract_strided_slice %get3A_21 {offsets = [7], sizes = [1], strides = [1]} : vector<16xf32> to vector<1xf32>
      %squeeze3A_1580 = vector.extract %slice3A_1579[0] : f32 from vector<1xf32>
      %add3A_1581 = vector.broadcast %squeeze3A_1580 : f32 to vector<16xf32>
      %add3A_1582 = arith.addf %get3A_1578, %add3A_1581 : vector<16xf32>
      %and3A_1583 = arith.constant 3 : i32
      %and3A_1584 = vector.broadcast %and3A_1583 : i32 to vector<16xi32>
      %and3A_1585 = arith.andi %iota3A, %and3A_1584 : vector<16xi32>
      %broadcast_in_dim3A_1586 = arith.constant 1 : i32
      %broadcast_in_dim3A_1587 = vector.broadcast %broadcast_in_dim3A_1586 : i32 to vector<16xi32>
      tpu.vector_store_idx %arg7[%and3A_1585, %broadcast_in_dim3A_1587], %add3A_1582 masked %lt3A_1561 : memref<4x2xf32, #tpu.memory_space<vmem>>[vector<16xi32>, vector<16xi32>], vector<16xf32>, vector<16xi1>
      "tpu.region"() ({
        %run_scoped3A = tpu.sem_alloc : memref<!tpu.dma_semaphore, #tpu.memory_space<semaphore_mem>>
        tpu.enqueue_dma source(%arg7 : memref<4x2xf32, #tpu.memory_space<vmem>>) target(%arg3 : memref<4x2xf32, #tpu.memory_space<hbm>>) target_semaphore(%run_scoped3A : memref<!tpu.dma_semaphore, #tpu.memory_space<semaphore_mem>>)
        tpu.wait_dma2 semaphore(%run_scoped3A : memref<!tpu.dma_semaphore, #tpu.memory_space<semaphore_mem>>) src(%arg7 : memref<4x2xf32, #tpu.memory_space<vmem>>) dst(%arg3 : memref<4x2xf32, #tpu.memory_space<hbm>>)
        tpu.yield
      }) : () -> ()
    } else {
    }
    return
  }
}

</mosaic_0001>

<sc_bundles>
// kernel: kernel.3.cloned.1.call-start
scs
__scs_entry_jumppad:
0x0: {  	(pc) =	sbr.rel $0x88, $3  }
0x1: {  	(tag) =	ssettag $0x0;
	lr =	simm.s32 $0x1  }
0x2: {  	[smem:$0x3F93] =	sst lr;
	_ =	strace $0xD0000000  }
0x3: {  	_ = 	snop  }
0x4: {  	_ = 	snop  }
0x5: {  	_ = 	snop  }
0x6: {  	_ = 	snop  }
0x7: {  	_ = 	snop  }
__scs_overlays_trampoline_lowered:
0x8: {  	[smem:$0x3FA2] =	sst s0  }
0x9: {  	[smem:$0x3FA3] =	sst s1  }
0xa: {  	[smem:$0x3FA4] =	sst s2  }
0xb: {  	[smem:$0x3FA5] =	sst s3  }
0xc: {  	[smem:$0x3FA6] =	sst s4  }
0xd: {  	[smem:$0x3FA7] =	sst s5  }
0xe: {  	[smem:$0x3FA8] =	sst s6  }
0xf: {  	[smem:$0x3FA9] =	sst s7  }
0x10: {  	[smem:$0x3FAA] =	sst s8  }
0x11: {  	[smem:$0x3FAB] =	sst s9;
	s0 =	simm.s32 @!p0 $0x0  }
0x12: {  	s1 =	sld [smem:$0x3F91];
	s0 =	simm.s32 @p0 $0x1  }
0x13: {  	[smem:$0x3FAC] =	sst s0;
	s0 =	simm.s32 @!p1 $0x0  }
0x14: {  	s2 =	sld [smem:$0x3F90];
	s0 =	simm.s32 @p1 $0x1  }
0x15: {  	[smem:$0x3FAD] =	sst s0;
	s0 =	simm.s32 @!p2 $0x0  }
0x16: {  	s3 =	sld [smem:$0x3FDB];
	s0 =	simm.s32 @p2 $0x1  }
0x17: {  	s4 =	simm.s32 $0x1BF5;
	[smem:$0x3FAF] =	sst s0  }
0x18: {  	s0 =	sld [smem:$0x3F92];
	_ =	swait.ge [sflag:s4], $0x0  }
0x19: {  	s7 =	sld [smem:$0x3F93]  }
0x1a: {  	s8 =	sadd.s32 $0xFFFFE003, lr  }
0x1b: {  	s9 =	sadd.s32 $0xFFFFFEF7, lr;
	s5 =	simm.s32 $0xFFFFFFFF;
	p2 =	slt.u32 s8, $0xFFFFF086  }
0x1c: {  	p1 =	slt.u32 s9, $0xF7A;
	s5 =	simm.s32 @!p2 $0x0  }
0x1d: {  	s5 =	simm.s32 @p1 $0x1;
	p0 =	seq.s32 s7, s2  }
0x1e: {  	s7 =	smul.u32 @!p0 $0xF7A, s2;
	p2 =	seq.s32 @!p0 s5, $0x0  }
0x1f: {  	s9 =	smul.u32 $0xF7A, s1;
	s8 =	simm.s32 @!p0 $0x1BF5;
	p2 =	por !p2, p0  }
0x20: {  	[sflag:s8] =	ssyncset.s32 @!p0 $0xFFFFF086;
	s6 =	sadd.s32 @!p0 s3, s7;
	s7 =	simm.s32 @!p0 $0x108  }
0x21: {  	s3 =	sadd.s32 s3, s9;
	s6 =	sadd.s32 @!p0 $0x88, s6;
	s7 =	simm.s32 @p2 $0x1082  }
0x22: {  	[simem:s7], [sflag:s8] =	dma.local @!p0 [hbm:s6], $0xF7A  }
0x23: {  	s9 =	sor.u32 $0xD0000000, s2;
	s6 =	simm.s32 $0x108;
	_ =	swait.ge @!p0 [sflag:s8], $0x0  }
0x24: {  	s3 =	sadd.s32 $0x88, s3;
	s6 =	simm.s32 @!p1 $0x1082;
	[sflag:s4] =	ssyncset.s32 $0xFFFFF086  }
0x25: {  	[simem:s6], [sflag:s4] =	dma.local [hbm:s3], $0xF7A  }
0x26: {  	[smem:$0x3F93] =	sst s1;
	(tag) =	ssettag s2;
	_ =	strace s9  }
0x27: {  	s1 =	sld [smem:$0x3FA3]  }
0x28: {  	s2 =	sld [smem:$0x3FA4]  }
0x29: {  	s4 =	sld [smem:$0x3FA6]  }
0x2a: {  	p0 =	seq.s32 s5, $0x0;
	s5 =	sld [smem:$0x3FA7]  }
0x2b: {  	s6 =	sld [smem:$0x3FA8]  }
0x2c: {  	s7 =	sld [smem:$0x3FA9]  }
0x2d: {  	s3 =	simm.s32 $0x108;
	s8 =	sld [smem:$0x3FAA]  }
0x2e: {  	s3 =	simm.s32 @!p0 $0x1082;
	s9 =	sld [smem:$0x3FAB]  }
0x2f: {  	lr =	sadd.s32 s0, s3;
	s0 =	sld [smem:$0x3FA2]  }
0x30: {  	s3 =	sld [smem:$0x3FA5]  }
0x31: {  	[smem:$0x3FAE] =	sst s10  }
0x32: {  	s10 =	sld [smem:$0x3FAC];
	_ =	sdelay $0x3  }
0x33: {  	p0 =	seq.s32 s10, $0x1;
	s10 =	sld [smem:$0x3FAE];
	_ =	sdelay $0x3  }
0x34: {  	[smem:$0x3FAE] =	sst s10  }
0x35: {  	s10 =	sld [smem:$0x3FAD];
	_ =	sdelay $0x3  }
0x36: {  	p1 =	seq.s32 s10, $0x1;
	s10 =	sld [smem:$0x3FAE];
	_ =	sdelay $0x3  }
0x37: {  	[smem:$0x3FAE] =	sst s10  }
0x38: {  	s10 =	sld [smem:$0x3FAF]  }
0x39: {  	_ = 	snop;
	(pc) =	sbr.ind lr, $3  }
0x3a: {  	_ = 	snop  }
0x3b: {  	_ = 	snop  }
0x3c: {  	p2 =	seq.s32 s10, $0x1;
	s10 =	sld [smem:$0x3FAE]  }
0x3d: {  	_ =	shalt  }
0x3e: {  	_ =	shalt  }
0x3f: {  	_ =	shalt  }
0x40: {  	_ =	shalt  }
0x41: {  	_ =	shalt  }
0x42: {  	_ =	shalt  }
0x43: {  	_ =	shalt  }
0x44: {  	_ =	shalt  }
0x45: {  	_ =	shalt  }
0x46: {  	_ =	shalt  }
0x47: {  	_ =	shalt  }
0x48: {  	_ =	shalt  }
0x49: {  	_ =	shalt  }
0x4a: {  	_ =	shalt  }
0x4b: {  	_ =	shalt  }
0x4c: {  	_ =	shalt  }
0x4d: {  	_ =	shalt  }
0x4e: {  	_ =	shalt  }
0x4f: {  	_ =	shalt  }
0x50: {  	_ =	shalt  }
0x51: {  	_ =	shalt  }
0x52: {  	_ =	shalt  }
0x53: {  	_ =	shalt  }
0x54: {  	_ =	shalt  }
0x55: {  	_ =	shalt  }
0x56: {  	_ =	shalt  }
0x57: {  	_ =	shalt  }
0x58: {  	_ =	shalt  }
0x59: {  	_ =	shalt  }
0x5a: {  	_ =	shalt  }
0x5b: {  	_ =	shalt  }
0x5c: {  	_ =	shalt  }
0x5d: {  	_ =	shalt  }
0x5e: {  	_ =	shalt  }
0x5f: {  	_ =	shalt  }
0x60: {  	_ =	shalt  }
0x61: {  	_ =	shalt  }
0x62: {  	_ =	shalt  }
0x63: {  	_ =	shalt  }
0x64: {  	_ =	shalt  }
0x65: {  	_ =	shalt  }
0x66: {  	_ =	shalt  }
0x67: {  	_ =	shalt  }
0x68: {  	_ =	shalt  }
0x69: {  	_ =	shalt  }
0x6a: {  	_ =	shalt  }
0x6b: {  	_ =	shalt  }
0x6c: {  	_ =	shalt  }
0x6d: {  	_ =	shalt  }
0x6e: {  	_ =	shalt  }
0x6f: {  	_ =	shalt  }
0x70: {  	_ =	shalt  }
0x71: {  	_ =	shalt  }
0x72: {  	_ =	shalt  }
0x73: {  	_ =	shalt  }
0x74: {  	_ =	shalt  }
0x75: {  	_ =	shalt  }
0x76: {  	_ =	shalt  }
0x77: {  	_ =	shalt  }
0x78: {  	_ =	shalt  }
0x79: {  	_ =	shalt  }
0x7a: {  	_ =	shalt  }
0x7b: {  	_ =	shalt  }
0x7c: {  	_ =	shalt  }
0x7d: {  	_ =	shalt  }
0x7e: {  	_ =	shalt  }
0x7f: {  	_ =	shalt  }
0x80: {  	_ =	shalt  }
0x81: {  	_ =	shalt  }
0x82: {  	_ =	shalt  }
0x83: {  	_ =	shalt  }
0x84: {  	_ =	shalt  }
0x85: {  	_ =	shalt  }
0x86: {  	_ =	shalt  }
0x87: {  	_ =	shalt  }
.Lfunc_end0:
.L_simem_size_0:
called_computation_lowered:
.L_overlay_start_0:
0x88: {  	s0 =	sld [smem:$0x3FD9]  }
0x89: {  	s1 =	sld [smem:$0x3FFE];
	_ =	sdelay $0x3  }
0x8a: {  	s0 =	sadd.s32 s1, s0  }
0x8b: {  	[smem:$0x3FBA] =	sst s0  }
0x8c: {  	_ = 	snop  }
0x8d: {  	s0 =	sld [smem:$0x3FD0];
	(tm) =	ssettm $0x1  }
0x8e: {  	s16 =	sld [smem:$0x3FFB];
	_ =	sdelay $0x3  }
0x8f: {  	_ =	strace s16  }
0x90: {  	s1 =	sld [smem:$0x3FFC];
	_ =	sdelay $0x3  }
0x91: {  	_ =	strace s1  }
0x92: {  	s1 =	sld [smem:$0x3FFD];
	_ =	sdelay $0x3  }
0x93: {  	_ =	strace s1  }
0x94: {  	_ =	strace $0x8FFFFFFF  }
0x95: {  	s17 =	sld [smem:$0x3FDB];
	_ =	sdelay $0x1  }
0x96: {  	s2 =	simm.s32 $_scs_section_size  }
0x97: {  	s3 =	simm.s32 $_size__tile_overlayer_lowered;
	s4 =	simm.s32 $_tile_overlayer_lowered  }
0x98: {  	s20 =	simm.s32 $0x1BFF;
	s19 =	sshll.u32 s4, $0x1;
	s1 =	sadd.s32 s2, s17  }
0x99: {  	s5 =	simm.s32 $0x0;
	s18 =	sshll.u32 s3, $0x1;
	s3 =	sadd.s32 s19, s1  }
0x9a: {  	[timem:s5], [sflag:s20] =	dma.local [hbm:s3], s18  }
0x9b: {  	_ =	swait.ge [sflag:s20], s18  }
0x9c: {  	s2 =	ssub.s32 $0x0, s18;
	[sflag:s20] =	ssyncset.done $0x0  }
0x9d: {  	[sflag:s20] =	ssyncadd.s32 s2;
	_ =	sdelay $0x1  }
0x9e: {  	s21 =	simm.s32 $0x1B8B  }
0x9f: {  	_ =	swait.ge [sflag:s21], $0x1  }
0xa0: {  	[sflag:s21] =	ssyncset.done $0x0  }
0xa1: {  	s23 =	simm.s32 $0x1B8E;
	s22 =	sld [smem:$0x3FFE];
	[sflag:s21] =	ssyncadd.s32 $0xFFFFFFFF  }
0xa2: {  	s24 =	simm.s32 $execute0_lowered;
	[smem:$0x3FD2] =	sst s23  }
0xa3: {  	s3 =	sshll.u32 s24, $0x1;
	_ =	strace $0x80000046;
	[dreg:$0x1] =	wrdreg $0xFFFFFFFF  }
0xa4: {  	s25 =	simm.s32 $_size_execute0_lowered;
	s1 =	sadd.s32 s1, s3;
	[dreg:$0x0] =	wrdreg $0x0  }
0xa5: {  	s3 =	sshll.u32 s25, $0x1;
	[dreg:$0x2] =	wrdreg s1  }
0xa6: {  	[dreg:$0x3] =	wrdreg s3  }
0xa7: {  	[dreg:$0x4] =	wrdreg $0xC0  }
0xa8: {  	_ =	task [dreg:s5], $0x5FFFF  }
0xa9: {  	[dreg:$0x1] =	wrdreg $0xFFFFFFFF  }
0xaa: {  	[dreg:$0x0] =	wrdreg $0x60  }
0xab: {  	[dreg:$0x2] =	wrdreg s0  }
0xac: {  	[dreg:$0x3] =	wrdreg s22  }
0xad: {  	[dreg:$0x4] =	wrdreg $0x9  }
0xae: {  	_ =	task.clear_ibuf [dreg:s5], $0x5FFFF;
	_ =	strace $0x90000046  }
0xaf: {  	s26 =	simm.s32 $0x9;
	_ =	strace $0x80000048  }
0xb0: {  	_ =	swait.ge [sflag:s26], $0x1  }
0xb1: {  	[sflag:s26] =	ssyncadd.s32 $0xFFFFFFFF  }
0xb2: {  	_ =	strace $0x90000048  }
0xb3: {  	_ =	sfence  }
0xb4: {  	s28 =	sld [smem:$0x0];
	_ =	sdelay $0x1  }
0xb5: {  	s29 =	srdreg.scid  }
0xb6: {  	s30 =	sshll.u32 s29, $0xD;
	s31 =	sshrl.u32 s29, $0x2  }
0xb7: {  	s2 =	sand.u32 $0x4000, s30;
	s1 =	sand.u32 $0x1, s29;
	s0 =	sadd.s32 s31, s28  }
0xb8: {  	s1 =	sor.u32 s2, s1;
	s0 =	sshll.u32 s0, $0x11  }
0xb9: {  	s0 =	sor.u32 s0, s1  }
0xba: {  	s0 =	sadd.s32 $0x8F2B, s0  }
0xbb: {  	[sflag:s0] =	ssyncadd.remote.s32 $0x1  }
0xbc: {  	_ =	sfence.sel $0xFFFF  }
0xbd: {  	[dreg:$0x0] =	wrdreg $0xFFFFFFFF;
	(pc) =	sbr.abs _section_cstart, $3  }
0xbe: {  	[dreg:$0x1] =	wrdreg $0xFFFFFFFF  }
0xbf: {  	_ =	task.clear_ibuf [dreg:s5], $0x2FFFF;
	_ =	strace $0x9FFFFFFF  }
0xc0: {  	(tm) =	ssettm $0x7FFFFFFF  }
0xc1: {  	_ =	shalt  }
tec
execute0_lowered:
.L_overlay_start_1:
0x0: {  	(tag) =	ssettag $0x1  }
0x1: {  	s3 =	stileid.u32  }
0x2: {  	p0 =	sne.s32 s3, $0x0  }
.Ltmp0:
0x3: {  	_ = 	snop;
	(pc) =	sbr.rel @p0 .LBB2_2-.Ltmp0, $4  }
0x4: {  	_ = 	snop  }
0x5: {  	s2 =	rddreg [dreg:$0x0]  }
0x6: {  	s1 =	rddreg [dreg:$0x1]  }
0x7: {  	s0 =	rddreg [dreg:$0x2];
	_ =	strace $0x80000047  }
0x8: {  	s3 =	simm.s32 $0x0;
	s30 =	simm.s32 $0x1  }
0x9: {  	[tilespmem:s3], [sflag:$0x1] =	stream.linear.gather [hbm4b:s2+s3], $0x100, $0x38;
	[tilespmem:$0x1300] =	vst v63  }
0xa: {  	_ =	swait.ge [sflag:s30], $0x100  }
0xb: {  	[sflag:s30] =	ssyncset.done $0x0  }
0xc: {  	[sflag:s30] =	ssyncadd.s32 $0xFFFFFF00  }
0xd: {  	v0 =	vld [tilespmem:$0x0]  }
0xe: {  	v1 =	vld [tilespmem:$0x10];
	_ =	sdelay $0x1  }
0xf: {  	v2 =	vld [tilespmem:$0x20];
	_ =	sdelay $0x1  }
0x10: {  	v3 =	vshrl.u32 v0, $0x10  }
0x11: {  	v4 =	vshrl.u32 v1, $0x10;
	v3 =	vand.u32 $0x1, v3  }
0x12: {  	v4 =	vand.u32 $0x1, v4;
	v0 =	vadd.s32 v3, v0  }
0x13: {  	v54 =	vshrl.u32 v2, $0x10;
	v1 =	vadd.s32 v4, v1;
	v0 =	vadd.s32 $0x7FFF, v0  }
0x14: {  	v3 =	vand.u32 $0x1, v54;
	v1 =	vadd.s32 $0x7FFF, v1;
	v0 =	vand.u32 $0xFFFF0000, v0  }
0x15: {  	v56 =	vadd.s32 v3, v2;
	v57 =	vbroadcast v0, $0x0;
	v58 =	vbroadcast v0, $0x1  }
0x16: {  	v55 =	vand.u32 $0xFFFF0000, v1;
	v59 =	vbroadcast v0, $0x2;
	v6 =	vbroadcast v0, $0x3  }
0x17: {  	v1 =	vadd.s32 $0x7FFF, v56;
	v9 =	vbroadcast v0, $0x4;
	v10 =	vbroadcast v0, $0x5  }
0x18: {  	v7 =	vld [tilespmem:$0x30];
	v5 =	vand.u32 $0xFFFF0000, v1;
	v11 =	vbroadcast v0, $0x6;
	v0 =	vbroadcast v0, $0x7  }
0x19: {  	v1 =	vld [tilespmem:$0x80];
	v2 =	vmul.f32 v55, v57;
	v3 =	vmul.f32 v5, v58  }
0x1a: {  	v8 =	vmul.f32 v55, v59;
	v6 =	vmul.f32 v5, v6  }
0x1b: {  	v60 =	vmul.f32 v55, v9;
	v61 =	vmul.f32 v5, v10;
	v2 =	vadd.f32 v3, v2  }
0x1c: {  	v4 =	vmul.f32 v55, v11;
	v5 =	vmul.f32 v5, v0;
	v6 =	vadd.f32 v6, v8  }
0x1d: {  	v11 =	vimm.f32 $0.0e+00;
	v3 =	vadd.f32 v61, v60;
	v2 =	vadd.f32 v2, v7  }
0x1e: {  	v0 =	vld [tilespmem:$0x90];
	[tilespmem:$0x880] =	vst v11;
	v4 =	vadd.f32 v5, v4;
	v63 =	vshll.u32 v1, $0x7;
	v6 =	vadd.f32 v6, v7  }
0x1f: {  	v62 =	vadd.f32 v3, v7;
	v18 =	vor.u32 $0x1, v63;
	[tilespmem:$0x100] =	vst v2  }
0x20: {  	v17 =	vadd.f32 v4, v7;
	v19 =	vor.u32 $0x2, v63;
	[tilespmem:$0x180] =	vst v6  }
0x21: {  	v20 =	vor.u32 $0x3, v63;
	[tilespmem:$0x200] =	vst v62  }
0x22: {  	s4 =	simm.s32 $0x100;
	v5 =	vld [tilespmem:$0x40];
	v21 =	vor.u32 $0x4, v63;
	[tilespmem:$0x280] =	vst v17  }
0x23: {  	v23 =	vor.u32 $0x5, v63;
	v22 =	vshll.u32 v0, $0x7;
	v3 =	vld.idx.msk [tilespmem:v63+s4+$0x0], $0xffff  }
0x24: {  	v12 =	vor.u32 $0x8, v22;
	v9 =	vld.idx.msk [tilespmem:v18+s4+$0x0], $0xffff  }
0x25: {  	v13 =	vor.u32 $0x9, v22;
	v4 =	vld.idx.msk [tilespmem:v19+s4+$0x0], $0xffff  }
0x26: {  	v14 =	vor.u32 $0xA, v22;
	v7 =	vld.idx.msk [tilespmem:v20+s4+$0x0], $0xffff  }
0x27: {  	v15 =	vor.u32 $0xB, v22;
	v6 =	vld.idx.msk [tilespmem:v21+s4+$0x0], $0xffff  }
0x28: {  	v16 =	vor.u32 $0xC, v22;
	v8 =	vld.idx.msk [tilespmem:v23+s4+$0x0], $0xffff  }
0x29: {  	v17 =	vor.u32 $0xD, v22;
	v12 =	vld.idx.msk [tilespmem:v12+s4+$0x0], $0xffff  }
0x2a: {  	v13 =	vld.idx.msk [tilespmem:v13+s4+$0x0], $0xffff  }
0x2b: {  	v24 =	vld.idx.msk [tilespmem:v14+s4+$0x0], $0xffff  }
0x2c: {  	v15 =	vld.idx.msk [tilespmem:v15+s4+$0x0], $0xffff  }
0x2d: {  	v25 =	vor.u32 $0x6, v63;
	v31 =	vbroadcast v5, $0x0;
	v16 =	vld.idx.msk [tilespmem:v16+s4+$0x0], $0xffff  }
0x2e: {  	v32 =	vbroadcast v5, $0x1;
	v34 =	vbroadcast v5, $0x3;
	v18 =	vor.u32 $0xE, v22;
	v17 =	vld.idx.msk [tilespmem:v17+s4+$0x0], $0xffff  }
0x2f: {  	v35 =	vbroadcast v5, $0x4;
	v37 =	vbroadcast v5, $0x5  }
0x30: {  	v41 =	vbroadcast v5, $0x6;
	v45 =	vbroadcast v5, $0x7  }
0x31: {  	v20 =	vor.u32 $0xF, v22;
	v12 =	vadd.f32 v12, v3;
	v13 =	vadd.f32 v13, v9  }
0x32: {  	v19 =	vor.u32 $0x7, v63;
	v10 =	vld.idx.msk [tilespmem:v25+s4+$0x0], $0xffff;
	v2 =	vadd.f32 v24, v4;
	v15 =	vadd.f32 v15, v7  }
0x33: {  	v23 =	vbroadcast v5, $0x2;
	v18 =	vld.idx.msk [tilespmem:v18+s4+$0x0], $0xffff;
	v16 =	vadd.f32 v16, v6;
	v17 =	vadd.f32 v17, v8  }
0x34: {  	v21 =	vmul.f32 $2.000000030e-01, v12;
	vm0 =	vgt.f32 v12, $0.0e+00;
	v22 =	vmul.f32 $2.000000030e-01, v13  }
0x35: {  	vm12 =	vgt.f32 v13, $0.0e+00;
	v27 =	vmul.f32 $2.000000030e-01, v2;
	vm13 =	vgt.f32 v2, $0.0e+00  }
0x36: {  	v20 =	vld.idx.msk [tilespmem:v20+s4+$0x0], $0xffff;
	v28 =	vmul.f32 $2.000000030e-01, v15;
	vm14 =	vgt.f32 v15, $0.0e+00;
	v29 =	vmul.f32 $2.000000030e-01, v16  }
0x37: {  	vm15 =	vgt.f32 v16, $0.0e+00;
	v30 =	vmul.f32 $2.000000030e-01, v17;
	v26 =	vsel vm0, v12, v21;
	v12 =	vld.idx.msk [tilespmem:v19+s4+$0x0], $0xffff  }
0x38: {  	vm4 =	vgt.f32 v17, $0.0e+00;
	v18 =	vadd.f32 v18, v10;
	v13 =	vsel vm12, v13, v22  }
0x39: {  	v2 =	vsel vm13, v2, v27;
	v14 =	vmul.f32 v26, v31;
	v13 =	vmul.f32 v13, v32  }
0x3a: {  	v15 =	vsel vm14, v15, v28;
	v16 =	vsel vm15, v16, v29;
	v17 =	vsel vm4, v17, v30  }
0x3b: {  	v33 =	vmul.f32 $2.000000030e-01, v18;
	v2 =	vmul.f32 v2, v23;
	v13 =	vadd.f32 v13, v14  }
0x3c: {  	v39 =	vmul.f32 v16, v35;
	v40 =	vmul.f32 v17, v37;
	v36 =	vadd.f32 v20, v12  }
0x3d: {  	vm5 =	vgt.f32 v18, $0.0e+00;
	v38 =	vmul.f32 v15, v34;
	v2 =	vadd.f32 v2, v13  }
0x3e: {  	v18 =	vsel vm5, v18, v33;
	v43 =	vadd.f32 v40, v39;
	v42 =	vmul.f32 $2.000000030e-01, v36  }
0x3f: {  	v44 =	vmul.f32 v18, v41;
	vm1 =	vgt.f32 v36, $0.0e+00;
	v2 =	vadd.f32 v38, v2  }
0x40: {  	vm6 =	vmmov $0x3ff;
	v46 =	vsel vm1, v36, v42  }
0x41: {  	v13 =	vadd.f32 v44, v43;
	v2 =	vnsel vm6, $0xF149F2CA, v2;
	v47 =	vmul.f32 v46, v45  }
0x42: {  	(xrf0) =	vmax.scan.msk.f32 $0xffff, v2  }
0x43: {  	v13 =	vadd.f32 v47, v13;
	_ =	sdelay $0x1  }
0x44: {  	v13 =	vnsel vm6, $0xF149F2CA, v13  }
0x45: {  	(xrf0) =	vmax.scan.msk.f32 $0xffff, v13;
	_ =	sdelay $0x1  }
0x46: {  	v48, _, _ =	vpop (xrf0)  }
0x47: {  	v14 =	vbroadcast v48, $0xF;
	_ =	sdelay $0x1  }
0x48: {  	v2 =	vsub.f32 v2, v14  }
0x49: {  	v49, _, _ =	vpop (xrf0)  }
0x4a: {  	v2 =	vmax.f32 v2, $-8.700000000e+01;
	v14 =	vbroadcast v49, $0xF  }
0x4b: {  	v2 =	vmin.f32 v2, $8.800000000e+01  }
0x4c: {  	v50 =	vmul.f32 $1.442695020e+00, v2;
	v13 =	vsub.f32 v13, v14;
	_ =	sdelay $0x1  }
0x4d: {  	v51 =	vadd.f32 $1.258291200e+07, v50;
	v13 =	vmax.f32 v13, $-8.700000000e+01  }
0x4e: {  	v13 =	vmin.f32 v13, $8.800000000e+01  }
0x4f: {  	v14 =	vadd.f32 $-1.258291200e+07, v51;
	v52 =	vmul.f32 $1.442695020e+00, v13;
	_ =	sdelay $0x1  }
0x50: {  	v53 =	vmul.f32 $6.933593750e-01, v14;
	v15 =	vadd.f32 $1.258291200e+07, v52;
	_ =	sdelay $0x1  }
0x51: {  	v54 =	vmul.f32 $2.121944420e-04, v14;
	v2 =	vsub.f32 v2, v53;
	v15 =	vadd.f32 $-1.258291200e+07, v15;
	_ =	sdelay $0x1  }
0x52: {  	v2 =	vadd.f32 v54, v2;
	v55 =	vmul.f32 $6.933593750e-01, v15;
	_ =	sdelay $0x1  }
0x53: {  	v57 =	vmul.f32 $2.121944420e-04, v15;
	v56 =	vmul.f32 $1.388888920e-03, v2;
	v13 =	vsub.f32 v13, v55;
	_ =	sdelay $0x1  }
0x54: {  	v17 =	vadd.f32 $8.333333770e-03, v56;
	v16 =	vadd.f32 v57, v13;
	_ =	sdelay $0x1  }
0x55: {  	v58 =	vmul.f32 v17, v2;
	v59 =	vmul.f32 $1.388888920e-03, v16;
	_ =	sdelay $0x1  }
0x56: {  	v13 =	vadd.f32 $4.166666790e-02, v58;
	v17 =	vadd.f32 $8.333333770e-03, v59;
	_ =	sdelay $0x1  }
0x57: {  	v13 =	vmul.f32 v13, v2;
	v17 =	vmul.f32 v17, v16;
	_ =	sdelay $0x1  }
0x58: {  	v13 =	vadd.f32 $1.666666720e-01, v13;
	v17 =	vadd.f32 $4.166666790e-02, v17;
	_ =	sdelay $0x1  }
0x59: {  	v13 =	vmul.f32 v13, v2;
	v17 =	vmul.f32 v17, v16  }
0x5a: {  	[tilespmem:$0x900] =	vst v11  }
0x5b: {  	[tilespmem:$0x980] =	vst v11;
	v13 =	vadd.f32 $5.000000000e-01, v13;
	v17 =	vadd.f32 $1.666666720e-01, v17  }
0x5c: {  	[tilespmem:$0xA00] =	vst v11  }
0x5d: {  	[tilespmem:$0xA80] =	vst v11;
	v13 =	vmul.f32 v13, v2;
	v17 =	vmul.f32 v17, v16  }
0x5e: {  	[tilespmem:$0xB00] =	vst v11  }
0x5f: {  	[tilespmem:$0xB80] =	vst v11;
	v14 =	vtrunc.f32 v14;
	v13 =	vadd.f32 $1.000000000e+00, v13;
	v17 =	vadd.f32 $5.000000000e-01, v17  }
0x60: {  	[tilespmem:$0xC00] =	vst v11;
	v60 =	vcvt.f32.s32 v14  }
0x61: {  	[tilespmem:$0xC80] =	vst v11;
	v2 =	vmul.f32 v13, v2;
	v61 =	vmul.f32 v17, v16  }
0x62: {  	[tilespmem:$0xD00] =	vst v11;
	v20 =	vtrunc.f32 v15  }
0x63: {  	[tilespmem:$0xD80] =	vst v11;
	v13 =	vshll.u32 v60, $0x17;
	v2 =	vadd.f32 $1.000000000e+00, v2;
	v14 =	vadd.f32 $1.000000000e+00, v61  }
0x64: {  	v62 =	vld [tilespmem:$0x50];
	[tilespmem:$0xE00] =	vst v11;
	v15 =	vcvt.f32.s32 v20;
	v13 =	vadd.s32 $0x3F800000, v13  }
0x65: {  	[tilespmem:$0xE80] =	vst v11;
	v63 =	vmul.f32 v13, v2;
	v13 =	vld [tilespmem:$0x60];
	v14 =	vmul.f32 v14, v16  }
0x66: {  	s5 =	simm.s32 $0x900;
	[tilespmem:$0xF00] =	vst v11;
	v21 =	vadd.s32 $0x80, v0;
	v2 =	vld [tilespmem:$0x70]  }
0x67: {  	v15 =	vshll.u32 v15, $0x17;
	[tilespmem:v0+s5+$0x0] =	vst.idx.add.f32.msk $0xffff, v63;
	v14 =	vadd.f32 $1.000000000e+00, v14  }
0x68: {  	v15 =	vadd.s32 $0x3F800000, v15;
	v22 =	vld.idx.msk [tilespmem:v0+s5+$0x0], $0xffff  }
0x69: {  	v14 =	vmul.f32 v15, v14;
	_ =	sdelay $0x1  }
0x6a: {  	[tilespmem:v21+s5+$0x0] =	vst.idx.add.f32.msk $0xffff, v14  }
0x6b: {  	v11 =	vld.idx.msk [tilespmem:v21+s5+$0x0], $0xffff  }
0x6c: {  	v23 =	vadd.f32 $1.000000020e-16, v22;
	_ =	sdelay $0x1  }
0x6d: {  	(erf) = vrcp.f32 v23;
	_ =	sdelay $0x1  }
0x6e: {  	v11 =	vadd.f32 $1.000000020e-16, v11;
	_ =	sdelay $0x1  }
0x6f: {  	(erf) = vrcp.f32 v11;
	_ =	sdelay $0x4  }
0x70: {  	v24 =	vpop (erf)  }
0x71: {  	v15 =	vmul.f32 v24, v23;
	_ =	sdelay $0x1  }
0x72: {  	v15 =	vsub.f32 $2.000000000e+00, v15  }
0x73: {  	v25 =	vpop (erf)  }
0x74: {  	v15 =	vmul.f32 v15, v24;
	v11 =	vmul.f32 v25, v11  }
0x75: {  	v26 =	vadd.s32 $0x100, v0  }
0x76: {  	v27 =	vadd.s32 $0x180, v0;
	v15 =	vmul.f32 v63, v15;
	v11 =	vsub.f32 $2.000000000e+00, v11  }
0x77: {  	v28 =	vadd.s32 $0x200, v0  }
0x78: {  	v30 =	vadd.s32 $0x280, v0;
	v29 =	vmul.f32 v15, v3;
	v11 =	vmul.f32 v11, v25  }
0x79: {  	v9 =	vmul.f32 v15, v9;
	v3 =	vadd.s32 $0x300, v0  }
0x7a: {  	v31 =	vmul.f32 v15, v4;
	v4 =	vadd.s32 $0x380, v0;
	[tilespmem:v26+s5+$0x0] =	vst.idx.add.f32.msk $0xffff, v29;
	v11 =	vmul.f32 v14, v11  }
0x7b: {  	v32 =	vadd.s32 $0x400, v0;
	v7 =	vmul.f32 v15, v7;
	[tilespmem:v27+s5+$0x0] =	vst.idx.add.f32.msk $0xffff, v9  }
0x7c: {  	v33 =	vadd.s32 $0x480, v0;
	[tilespmem:v28+s5+$0x0] =	vst.idx.add.f32.msk $0xffff, v31;
	v6 =	vmul.f32 v11, v6  }
0x7d: {  	[tilespmem:v30+s5+$0x0] =	vst.idx.add.f32.msk $0xffff, v7;
	v34 =	vmul.f32 v11, v8  }
0x7e: {  	v35 =	vmul.f32 v11, v10;
	[tilespmem:v3+s5+$0x0] =	vst.idx.add.f32.msk $0xffff, v6  }
0x7f: {  	v36 =	vmul.f32 v11, v12;
	[tilespmem:v4+s5+$0x0] =	vst.idx.add.f32.msk $0xffff, v34  }
0x80: {  	[tilespmem:v32+s5+$0x0] =	vst.idx.add.f32.msk $0xffff, v35  }
0x81: {  	[tilespmem:v33+s5+$0x0] =	vst.idx.add.f32.msk $0xffff, v36  }
0x82: {  	v6 =	vld [tilespmem:$0xA00];
	_ =	sdelay $0x2  }
0x83: {  	v37 =	vbroadcast v5, $0x8;
	_ =	sdelay $0x1  }
0x84: {  	v38 =	vld [tilespmem:$0xA80];
	v7 =	vadd.f32 v6, v37;
	_ =	sdelay $0x1  }
0x85: {  	v6 =	vmax.f32 v7, $-8.700000000e+01  }
0x86: {  	v40 =	vbroadcast v5, $0x9;
	v6 =	vmin.f32 v6, $8.800000000e+01  }
0x87: {  	v39 =	vmul.f32 $1.442695020e+00, v6  }
0x88: {  	v10 =	vadd.f32 v38, v40  }
0x89: {  	v9 =	vadd.f32 $1.258291200e+07, v39  }
0x8a: {  	v43 =	vmax.f32 v10, $-8.700000000e+01  }
0x8b: {  	v41 =	vadd.f32 $-1.258291200e+07, v9;
	v9 =	vmin.f32 v43, $8.800000000e+01  }
0x8c: {  	v45 =	vmul.f32 $1.442695020e+00, v9  }
0x8d: {  	v42 =	vmul.f32 $6.933593750e-01, v41  }
0x8e: {  	v46 =	vadd.f32 $1.258291200e+07, v45  }
0x8f: {  	v44 =	vmul.f32 $2.121944420e-04, v41;
	v6 =	vsub.f32 v6, v42  }
0x90: {  	v48 =	vadd.f32 $-1.258291200e+07, v46  }
0x91: {  	v8 =	vadd.f32 v44, v6  }
0x92: {  	v49 =	vld [tilespmem:$0xB00];
	v50 =	vmul.f32 $6.933593750e-01, v48  }
0x93: {  	v47 =	vmul.f32 $1.388888920e-03, v8  }
0x94: {  	v53 =	vmul.f32 $2.121944420e-04, v48;
	v9 =	vsub.f32 v9, v50  }
0x95: {  	v51 =	vbroadcast v5, $0xA;
	v12 =	vadd.f32 $8.333333770e-03, v47  }
0x96: {  	v15 =	vadd.f32 v53, v9  }
0x97: {  	v58 =	vshrl.u32 v62, $0x10;
	v52 =	vmul.f32 v12, v8;
	v12 =	vadd.f32 v49, v51  }
0x98: {  	v20 =	vand.u32 $0x1, v58;
	v27 =	vshrl.u32 v13, $0x10;
	v56 =	vmul.f32 $1.388888920e-03, v15  }
0x99: {  	v60 =	vbroadcast v5, $0xB;
	v30 =	vand.u32 $0x1, v27;
	v55 =	vmax.f32 v12, $-8.700000000e+01  }
0x9a: {  	v54 =	vadd.f32 $4.166666790e-02, v52;
	v9 =	vmin.f32 v55, $8.800000000e+01;
	v16 =	vadd.f32 $8.333333770e-03, v56  }
0x9b: {  	vm7 =	vgt.f32 v7, $0.0e+00;
	v11 =	vtrunc.f32 v41;
	v57 =	vmul.f32 $1.442695020e+00, v9  }
0x9c: {  	vm8 =	vgt.f32 v10, $0.0e+00;
	v6 =	vmul.f32 v54, v8;
	v16 =	vmul.f32 v16, v15  }
0x9d: {  	v11 =	vcvt.f32.s32 v11;
	v14 =	vtrunc.f32 v48;
	v18 =	vadd.f32 $1.258291200e+07, v57  }
0x9e: {  	v19 =	vld [tilespmem:$0xB80];
	v44 =	vcvt.f32.s32 v14;
	v6 =	vadd.f32 $1.666666720e-01, v6;
	v16 =	vadd.f32 $4.166666790e-02, v16  }
0x9f: {  	v45 =	vbroadcast v5, $0xC;
	v34 =	vshll.u32 v11, $0x17;
	v18 =	vadd.f32 $-1.258291200e+07, v18  }
0xa0: {  	v47 =	vshll.u32 v44, $0x17;
	v6 =	vmul.f32 v6, v8;
	v16 =	vmul.f32 v16, v15  }
0xa1: {  	v36 =	vadd.s32 $0x3F800000, v34;
	v48 =	vadd.s32 $0x3F800000, v47;
	v59 =	vmul.f32 $6.933593750e-01, v18  }
0xa2: {  	v54 =	vbroadcast v5, $0xD;
	v6 =	vadd.f32 $5.000000000e-01, v6;
	v16 =	vadd.f32 $1.666666720e-01, v16  }
0xa3: {  	v24 =	vmul.f32 $2.121944420e-04, v18;
	v21 =	vsub.f32 v9, v59;
	v9 =	vadd.f32 v19, v60  }
0xa4: {  	vm9 =	vgt.f32 v12, $0.0e+00;
	v58 =	vtrunc.f32 v18;
	v61 =	vmul.f32 v6, v8  }
0xa5: {  	v16 =	vmul.f32 v16, v15;
	v63 =	vadd.f32 v24, v21;
	v26 =	vmax.f32 v9, $-8.700000000e+01  }
0xa6: {  	v6 =	vadd.s32 v20, v62;
	v62 =	vadd.f32 $1.000000000e+00, v61;
	v20 =	vmin.f32 v26, $8.800000000e+01  }
0xa7: {  	v61 =	vld [tilespmem:$0xD00];
	v16 =	vadd.f32 $5.000000000e-01, v16;
	v28 =	vmul.f32 $1.388888920e-03, v63;
	v29 =	vmul.f32 $1.442695020e+00, v20  }
0xa8: {  	v6 =	vadd.s32 $0x7FFF, v6;
	vm10 =	vgt.f32 v9, $0.0e+00;
	v8 =	vmul.f32 v62, v8  }
0xa9: {  	v35 =	vmul.f32 v16, v15;
	v31 =	vadd.f32 $8.333333770e-03, v28;
	v32 =	vadd.f32 $1.258291200e+07, v29  }
0xaa: {  	v33 =	vadd.f32 $1.000000000e+00, v8;
	v8 =	vadd.s32 v30, v13;
	v29 =	vbroadcast v5, $0xE  }
0xab: {  	v40 =	vld [tilespmem:$0xC00];
	v11 =	vadd.f32 $1.000000000e+00, v35;
	v21 =	vmul.f32 v31, v63;
	v22 =	vadd.f32 $-1.258291200e+07, v32  }
0xac: {  	v5 =	vbroadcast v5, $0xF;
	v37 =	vmul.f32 v36, v33;
	v32 =	vadd.f32 v61, v29  }
0xad: {  	v11 =	vmul.f32 v11, v15;
	v38 =	vadd.f32 $4.166666790e-02, v21;
	v39 =	vmul.f32 $6.933593750e-01, v22  }
0xae: {  	v26 =	vld [tilespmem:$0xD80];
	v13 =	vadd.f32 $-1.000000000e+00, v37;
	v43 =	vmul.f32 $2.121944420e-04, v22;
	v36 =	vmax.f32 v32, $-8.700000000e+01  }
0xaf: {  	vm13 =	vgt.f32 v32, $0.0e+00;
	v11 =	vadd.f32 $1.000000000e+00, v11;
	v41 =	vmul.f32 v38, v63  }
0xb0: {  	v42 =	vsub.f32 v20, v39;
	v13 =	vsel vm7, v7, v13;
	v7 =	vadd.f32 v40, v45  }
0xb1: {  	v40 =	vtrunc.f32 v22;
	v46 =	vshrl.u32 v13, $0x10;
	v11 =	vmul.f32 v48, v11  }
0xb2: {  	v51 =	vld [tilespmem:$0xC80];
	v15 =	vadd.f32 $1.666666720e-01, v41;
	v16 =	vadd.f32 v43, v42;
	v20 =	vand.u32 $0x1, v46  }
0xb3: {  	v50 =	vmax.f32 v7, $-8.700000000e+01;
	v42 =	vadd.f32 v26, v5;
	vm11 =	vgt.f32 v7, $0.0e+00  }
0xb4: {  	v14 =	vmin.f32 v50, $8.800000000e+01;
	v11 =	vadd.f32 $-1.000000000e+00, v11;
	v15 =	vmul.f32 v15, v63  }
0xb5: {  	v13 =	vadd.s32 v20, v13;
	v49 =	vmul.f32 $1.388888920e-03, v16;
	v52 =	vmul.f32 $1.442695020e+00, v14  }
0xb6: {  	v45 =	vmax.f32 v42, $-8.700000000e+01;
	vm14 =	vgt.f32 v42, $0.0e+00;
	v11 =	vsel vm8, v10, v11  }
0xb7: {  	v10 =	vadd.f32 v51, v54;
	v15 =	vadd.f32 $5.000000000e-01, v15;
	v55 =	vshrl.u32 v11, $0x10  }
0xb8: {  	v17 =	vadd.f32 $8.333333770e-03, v49;
	v53 =	vadd.f32 $1.258291200e+07, v52;
	v23 =	vand.u32 $0x1, v55  }
0xb9: {  	v60 =	vmax.f32 v10, $-8.700000000e+01;
	vm12 =	vgt.f32 v10, $0.0e+00;
	v15 =	vmul.f32 v15, v63  }
0xba: {  	v24 =	vadd.f32 $-1.258291200e+07, v53;
	v20 =	vadd.s32 v23, v11;
	v23 =	vmin.f32 v36, $8.800000000e+01  }
0xbb: {  	v17 =	vmul.f32 v17, v16;
	v19 =	vmin.f32 v60, $8.800000000e+01;
	v27 =	vmul.f32 $1.442695020e+00, v23  }
0xbc: {  	v61 =	vadd.s32 $0x7FFF, v20;
	v15 =	vadd.f32 $1.000000000e+00, v15;
	v59 =	vmul.f32 $6.933593750e-01, v24  }
0xbd: {  	v17 =	vadd.f32 $4.166666790e-02, v17;
	v62 =	vmul.f32 $2.121944420e-04, v24;
	v24 =	vtrunc.f32 v24  }
0xbe: {  	v39 =	vadd.f32 $1.258291200e+07, v27;
	v24 =	vcvt.f32.s32 v24;
	v56 =	vmul.f32 v15, v63  }
0xbf: {  	v27 =	vmin.f32 v45, $8.800000000e+01;
	v57 =	vmul.f32 v17, v16;
	v17 =	vcvt.f32.s32 v58  }
0xc0: {  	v14 =	vsub.f32 v14, v59;
	v63 =	vmul.f32 $1.442695020e+00, v19;
	v58 =	vadd.s32 $0x7FFF, v8  }
0xc1: {  	v59 =	vadd.s32 $0x7FFF, v13;
	v41 =	vadd.f32 $-1.258291200e+07, v39;
	v24 =	vshll.u32 v24, $0x17  }
0xc2: {  	v8 =	vand.u32 $0xFFFF0000, v59;
	v15 =	vadd.f32 $1.666666720e-01, v57;
	v30 =	vadd.f32 $1.258291200e+07, v63  }
0xc3: {  	v25 =	vadd.f32 $1.000000000e+00, v56;
	v14 =	vadd.f32 v62, v14;
	v17 =	vshll.u32 v17, $0x17  }
0xc4: {  	v44 =	vmul.f32 $6.933593750e-01, v41;
	v46 =	vmul.f32 $2.121944420e-04, v41;
	v18 =	vadd.f32 $-1.258291200e+07, v30  }
0xc5: {  	v24 =	vadd.s32 $0x3F800000, v24;
	v63 =	vtrunc.f32 v41;
	v28 =	vmul.f32 v15, v16  }
0xc6: {  	v33 =	vadd.s32 $0x3F800000, v17;
	v34 =	vmul.f32 $1.388888920e-03, v14;
	v37 =	vmul.f32 $6.933593750e-01, v18  }
0xc7: {  	v15 =	vmul.f32 v33, v25;
	v23 =	vsub.f32 v23, v44;
	v31 =	vadd.f32 $5.000000000e-01, v28  }
0xc8: {  	v17 =	vadd.f32 $8.333333770e-03, v34;
	v38 =	vmul.f32 $2.121944420e-04, v18;
	v19 =	vsub.f32 v19, v37  }
0xc9: {  	v15 =	vadd.f32 $-1.000000000e+00, v15;
	v28 =	vmul.f32 $1.442695020e+00, v27;
	v35 =	vmul.f32 v31, v16  }
0xca: {  	v18 =	vtrunc.f32 v18;
	v17 =	vmul.f32 v17, v14;
	v19 =	vadd.f32 v38, v19  }
0xcb: {  	v23 =	vadd.f32 v46, v23;
	v18 =	vcvt.f32.s32 v18;
	v21 =	vadd.f32 $1.000000000e+00, v35  }
0xcc: {  	v15 =	vsel vm9, v12, v15;
	v17 =	vadd.f32 $4.166666790e-02, v17;
	v25 =	vmul.f32 $1.388888920e-03, v19  }
0xcd: {  	v47 =	vadd.f32 $1.258291200e+07, v28;
	v16 =	vmul.f32 v21, v16;
	v21 =	vcvt.f32.s32 v40  }
0xce: {  	v48 =	vmul.f32 $1.388888920e-03, v23;
	v17 =	vmul.f32 v17, v14;
	v25 =	vadd.f32 $8.333333770e-03, v25  }
0xcf: {  	v26 =	vadd.f32 $-1.258291200e+07, v47;
	v16 =	vadd.f32 $1.000000000e+00, v16;
	v21 =	vshll.u32 v21, $0x17  }
0xd0: {  	v17 =	vadd.f32 $1.666666720e-01, v17;
	v21 =	vadd.s32 $0x3F800000, v21;
	v25 =	vmul.f32 v25, v19  }
0xd1: {  	v43 =	vshrl.u32 v15, $0x10;
	v16 =	vmul.f32 v21, v16;
	v21 =	vadd.f32 $8.333333770e-03, v48  }
0xd2: {  	v49 =	vmul.f32 $6.933593750e-01, v26;
	v17 =	vmul.f32 v17, v14;
	v25 =	vadd.f32 $4.166666790e-02, v25  }
0xd3: {  	v18 =	vshll.u32 v18, $0x17;
	v5 =	vand.u32 $0x1, v43;
	v21 =	vmul.f32 v21, v23  }
0xd4: {  	v27 =	vsub.f32 v27, v49;
	v17 =	vadd.f32 $5.000000000e-01, v17;
	v25 =	vmul.f32 v25, v19  }
0xd5: {  	v50 =	vmul.f32 $2.121944420e-04, v26;
	v16 =	vadd.f32 $-1.000000000e+00, v16;
	v53 =	vadd.f32 $4.166666790e-02, v21  }
0xd6: {  	v15 =	vadd.s32 v5, v15;
	v17 =	vmul.f32 v17, v14;
	v25 =	vadd.f32 $1.666666720e-01, v25  }
0xd7: {  	v54 =	vadd.f32 v50, v27;
	v51 =	vsel vm10, v9, v16;
	v16 =	vmul.f32 v53, v23  }
0xd8: {  	v27 =	vtrunc.f32 v26;
	v17 =	vadd.f32 $1.000000000e+00, v17;
	v52 =	vmul.f32 v25, v19  }
0xd9: {  	v28 =	vcvt.f32.s32 v27;
	v55 =	vshrl.u32 v51, $0x10;
	v16 =	vadd.f32 $1.666666720e-01, v16  }
0xda: {  	v21 =	vand.u32 $0x1, v55;
	v14 =	vmul.f32 v17, v14;
	v9 =	vadd.f32 $5.000000000e-01, v52  }
0xdb: {  	v57 =	vmul.f32 $1.388888920e-03, v54;
	v21 =	vadd.s32 v21, v51;
	v16 =	vmul.f32 v16, v23  }
0xdc: {  	v62 =	vadd.s32 $0x7FFF, v21;
	v14 =	vadd.f32 $1.000000000e+00, v14;
	v56 =	vmul.f32 v9, v19  }
0xdd: {  	v21 =	vcvt.f32.s32 v63;
	v9 =	vadd.f32 $8.333333770e-03, v57;
	v60 =	vadd.f32 $5.000000000e-01, v16  }
0xde: {  	v14 =	vmul.f32 v24, v14;
	v57 =	vbroadcast v2, $0x0;
	v5 =	vadd.f32 $1.000000000e+00, v56  }
0xdf: {  	v18 =	vadd.s32 $0x3F800000, v18;
	v9 =	vmul.f32 v9, v54;
	v13 =	vmul.f32 v60, v23  }
0xe0: {  	v19 =	vmul.f32 v5, v19;
	v5 =	vand.u32 $0xFFFF0000, v6;
	v6 =	vand.u32 $0xFFFF0000, v58  }
0xe1: {  	v15 =	vadd.s32 $0x7FFF, v15;
	v30 =	vbroadcast v5, $0x0;
	v31 =	vbroadcast v6, $0x0  }
0xe2: {  	v15 =	vand.u32 $0xFFFF0000, v15;
	v34 =	vbroadcast v6, $0x1;
	v36 =	vbroadcast v5, $0x2  }
0xe3: {  	v17 =	vshll.u32 v28, $0x17;
	v37 =	vbroadcast v6, $0x2;
	v38 =	vbroadcast v5, $0x3  }
0xe4: {  	v20 =	vand.u32 $0xFFFF0000, v62;
	v39 =	vbroadcast v6, $0x3;
	v41 =	vbroadcast v5, $0x4  }
0xe5: {  	v9 =	vadd.f32 $4.166666790e-02, v9;
	v43 =	vbroadcast v5, $0x5;
	v45 =	vbroadcast v6, $0x5  }
0xe6: {  	v29 =	vadd.s32 $0x3F800000, v17;
	v48 =	vbroadcast v5, $0x6;
	v49 =	vbroadcast v6, $0x6  }
0xe7: {  	v16 =	vand.u32 $0xFFFF0000, v61;
	v50 =	vbroadcast v5, $0x7;
	v9 =	vmul.f32 v9, v54  }
0xe8: {  	v14 =	vadd.f32 $-1.000000000e+00, v14;
	v52 =	vbroadcast v6, $0x7;
	v56 =	vbroadcast v5, $0x8  }
0xe9: {  	v58 =	vbroadcast v6, $0x8;
	v60 =	vbroadcast v5, $0x9;
	v9 =	vadd.f32 $1.666666720e-01, v9  }
0xea: {  	v13 =	vadd.f32 $1.000000000e+00, v13;
	v61 =	vbroadcast v6, $0x9;
	v63 =	vbroadcast v5, $0xA  }
0xeb: {  	v25 =	vshll.u32 v21, $0x17;
	v27 =	vbroadcast v6, $0xB;
	v9 =	vmul.f32 v9, v54  }
0xec: {  	v7 =	vsel vm11, v7, v14;
	v13 =	vmul.f32 v13, v23;
	v33 =	vmul.f32 v8, v30  }
0xed: {  	v21 =	vmul.f32 v20, v38;
	v40 =	vmul.f32 v20, v39;
	v9 =	vadd.f32 $5.000000000e-01, v9  }
0xee: {  	v19 =	vadd.f32 $1.000000000e+00, v19;
	v59 =	vmul.f32 v8, v56;
	v62 =	vmul.f32 v16, v60  }
0xef: {  	v24 =	vshrl.u32 v7, $0x10;
	v30 =	vbroadcast v5, $0xC;
	v9 =	vmul.f32 v9, v54  }
0xf0: {  	v38 =	vbroadcast v5, $0xE;
	v23 =	vmul.f32 v18, v19;
	v13 =	vadd.f32 $1.000000000e+00, v13  }
0xf1: {  	v19 =	vadd.s32 $0x3F800000, v25;
	v18 =	vand.u32 $0x1, v24;
	v9 =	vadd.f32 $1.000000000e+00, v9  }
0xf2: {  	v24 =	vmul.f32 v15, v63;
	v25 =	vbroadcast v5, $0xB;
	v7 =	vadd.s32 v18, v7  }
0xf3: {  	v14 =	vadd.f32 $-1.000000000e+00, v23;
	v13 =	vmul.f32 v19, v13;
	v9 =	vmul.f32 v9, v54  }
0xf4: {  	v7 =	vadd.s32 $0x7FFF, v7;
	v19 =	vmul.f32 v15, v36;
	v23 =	vbroadcast v6, $0xA  }
0xf5: {  	v7 =	vand.u32 $0xFFFF0000, v7;
	v13 =	vadd.f32 $-1.000000000e+00, v13;
	v9 =	vadd.f32 $1.000000000e+00, v9  }
0xf6: {  	v10 =	vsel vm12, v10, v14;
	v44 =	vmul.f32 v7, v41;
	v26 =	vmul.f32 v15, v23  }
0xf7: {  	v14 =	vshrl.u32 v10, $0x10;
	v11 =	vsel vm13, v32, v13;
	v9 =	vmul.f32 v29, v9  }
0xf8: {  	v14 =	vand.u32 $0x1, v14;
	v32 =	vbroadcast v5, $0x1;
	v13 =	vshrl.u32 v11, $0x10  }
0xf9: {  	v10 =	vadd.s32 v14, v10;
	v14 =	vmul.f32 v8, v31;
	v9 =	vadd.f32 $-1.000000000e+00, v9  }
0xfa: {  	v8 =	vmul.f32 v8, v58;
	v31 =	vmul.f32 v20, v27;
	v13 =	vand.u32 $0x1, v13  }
0xfb: {  	v10 =	vadd.s32 $0x7FFF, v10;
	v17 =	vmul.f32 v16, v32;
	v9 =	vsel vm14, v42, v9  }
0xfc: {  	v11 =	vadd.s32 v13, v11;
	v13 =	vmul.f32 v16, v34;
	v35 =	vshrl.u32 v9, $0x10  }
0xfd: {  	v32 =	vbroadcast v6, $0xC;
	v12 =	vadd.f32 v17, v33;
	v18 =	vand.u32 $0x1, v35  }
0xfe: {  	v13 =	vadd.f32 v13, v14;
	v9 =	vadd.s32 v18, v9;
	v18 =	vmul.f32 v15, v37  }
0xff: {  	v10 =	vand.u32 $0xFFFF0000, v10;
	v34 =	vbroadcast v5, $0xD;
	v12 =	vadd.f32 v19, v12  }
0x100: {  	v5 =	vbroadcast v5, $0xF;
	v42 =	vbroadcast v6, $0x4;
	v13 =	vadd.f32 v18, v13  }
0x101: {  	v11 =	vadd.s32 $0x7FFF, v11;
	v46 =	vmul.f32 v10, v43;
	v12 =	vadd.f32 v21, v12  }
0x102: {  	v47 =	vmul.f32 v10, v45;
	v14 =	vmul.f32 v7, v42;
	v13 =	vadd.f32 v40, v13  }
0x103: {  	v17 =	vadd.f32 v62, v59;
	v33 =	vmul.f32 v7, v30;
	v12 =	vadd.f32 v44, v12  }
0x104: {  	v11 =	vand.u32 $0xFFFF0000, v11;
	v13 =	vadd.f32 v14, v13;
	v14 =	vmul.f32 v16, v61  }
0x105: {  	v51 =	vmul.f32 v11, v48;
	v53 =	vmul.f32 v11, v49;
	v12 =	vadd.f32 v46, v12  }
0x106: {  	v28 =	vadd.f32 v24, v17;
	v48 =	vbroadcast v2, $0x3;
	v8 =	vadd.f32 v14, v8  }
0x107: {  	v29 =	vmul.f32 v20, v25;
	v44 =	vbroadcast v2, $0x2;
	v12 =	vadd.f32 v51, v12  }
0x108: {  	v7 =	vmul.f32 v7, v32;
	v35 =	vbroadcast v6, $0xD;
	v8 =	vadd.f32 v26, v8  }
0x109: {  	v42 =	vmul.f32 v11, v38;
	v9 =	vadd.s32 $0x7FFF, v9;
	v16 =	vadd.f32 v29, v28  }
0x10a: {  	v37 =	vmul.f32 v10, v34;
	v9 =	vand.u32 $0xFFFF0000, v9;
	v8 =	vadd.f32 v31, v8  }
0x10b: {  	v39 =	vmul.f32 v10, v35;
	v54 =	vmul.f32 v9, v50;
	v36 =	vadd.f32 v33, v16  }
0x10c: {  	v40 =	vbroadcast v6, $0xE;
	v13 =	vadd.f32 v47, v13;
	v7 =	vadd.f32 v7, v8  }
0x10d: {  	v55 =	vmul.f32 v9, v52;
	v6 =	vbroadcast v6, $0xF;
	v41 =	vadd.f32 v37, v36  }
0x10e: {  	v43 =	vmul.f32 v11, v40;
	v13 =	vadd.f32 v53, v13;
	v7 =	vadd.f32 v39, v7  }
0x10f: {  	v5 =	vmul.f32 v9, v5;
	v12 =	vadd.f32 v54, v12;
	v45 =	vadd.f32 v42, v41  }
0x110: {  	v6 =	vmul.f32 v9, v6;
	v13 =	vadd.f32 v55, v13;
	v7 =	vadd.f32 v43, v7  }
0x111: {  	v12 =	vadd.f32 v12, v57;
	v47 =	vbroadcast v2, $0x1;
	v5 =	vadd.f32 v5, v45  }
0x112: {  	v49 =	vadd.s32 $0x200, v1;
	v46 =	vadd.f32 v13, v44;
	v6 =	vadd.f32 v6, v7  }
0x113: {  	v1 =	vadd.s32 $0x280, v1;
	[tilespmem:$0x300] =	vst v12;
	v5 =	vadd.f32 v5, v47  }
0x114: {  	[tilespmem:$0x400] =	vst v46;
	v6 =	vadd.f32 v6, v48  }
0x115: {  	[tilespmem:$0x380] =	vst v5  }
0x116: {  	[tilespmem:$0x480] =	vst v6  }
0x117: {  	v5 =	vld.idx.msk [tilespmem:v49+s4+$0x0], $0xffff  }
0x118: {  	v1 =	vld.idx.msk [tilespmem:v1+s4+$0x0], $0xffff  }
0x119: {  	v3 =	vld.idx.msk [tilespmem:v3+s4+$0x0], $0xffff  }
0x11a: {  	v4 =	vld.idx.msk [tilespmem:v4+s4+$0x0], $0xffff;
	_ =	sdelay $0x4  }
0x11b: {  	v3 =	vadd.f32 v3, v5;
	v4 =	vadd.f32 v4, v1  }
0x11c: {  	v52 =	vbroadcast v2, $0x4  }
0x11d: {  	v50 =	vmul.f32 $2.000000030e-01, v3;
	v51 =	vmul.f32 $2.000000030e-01, v4  }
0x11e: {  	v53 =	vbroadcast v2, $0x5;
	vm15 =	vgt.f32 v3, $0.0e+00;
	vm2 =	vgt.f32 v4, $0.0e+00  }
0x11f: {  	v3 =	vsel vm15, v3, v50;
	v4 =	vsel vm2, v4, v51  }
0x120: {  	v3 =	vmul.f32 v3, v52;
	v4 =	vmul.f32 v4, v53;
	_ =	sdelay $0x1  }
0x121: {  	v3 =	vadd.f32 v4, v3;
	_ =	sdelay $0x1  }
0x122: {  	v3 =	vnsel vm6, $0xF149F2CA, v3  }
0x123: {  	(xrf0) =	vmax.scan.msk.f32 $0xffff, v3;
	_ =	sdelay $0x5  }
0x124: {  	v54, _, _ =	vpop (xrf0)  }
0x125: {  	v4 =	vbroadcast v54, $0xF;
	_ =	sdelay $0x1  }
0x126: {  	v3 =	vsub.f32 v3, v4;
	_ =	sdelay $0x1  }
0x127: {  	v3 =	vmax.f32 v3, $-8.700000000e+01  }
0x128: {  	v3 =	vmin.f32 v3, $8.800000000e+01  }
0x129: {  	v55 =	vmul.f32 $1.442695020e+00, v3;
	_ =	sdelay $0x1  }
0x12a: {  	v4 =	vadd.f32 $1.258291200e+07, v55;
	_ =	sdelay $0x1  }
0x12b: {  	v4 =	vadd.f32 $-1.258291200e+07, v4;
	_ =	sdelay $0x1  }
0x12c: {  	v56 =	vmul.f32 $6.933593750e-01, v4;
	_ =	sdelay $0x1  }
0x12d: {  	v57 =	vmul.f32 $2.121944420e-04, v4;
	v3 =	vsub.f32 v3, v56;
	_ =	sdelay $0x1  }
0x12e: {  	v3 =	vadd.f32 v57, v3;
	_ =	sdelay $0x1  }
0x12f: {  	v6 =	vmul.f32 $1.388888920e-03, v3;
	_ =	sdelay $0x1  }
0x130: {  	v6 =	vadd.f32 $8.333333770e-03, v6;
	_ =	sdelay $0x1  }
0x131: {  	v6 =	vmul.f32 v6, v3;
	_ =	sdelay $0x1  }
0x132: {  	v6 =	vadd.f32 $4.166666790e-02, v6;
	_ =	sdelay $0x1  }
0x133: {  	v6 =	vmul.f32 v6, v3;
	_ =	sdelay $0x1  }
0x134: {  	v6 =	vadd.f32 $1.666666720e-01, v6;
	_ =	sdelay $0x1  }
0x135: {  	v6 =	vmul.f32 v6, v3;
	_ =	sdelay $0x1  }
0x136: {  	v6 =	vadd.f32 $5.000000000e-01, v6;
	_ =	sdelay $0x1  }
0x137: {  	v6 =	vmul.f32 v6, v3;
	_ =	sdelay $0x1  }
0x138: {  	v6 =	vadd.f32 $1.000000000e+00, v6  }
0x139: {  	v4 =	vtrunc.f32 v4  }
0x13a: {  	v4 =	vcvt.f32.s32 v4;
	v3 =	vmul.f32 v6, v3  }
0x13b: {  	v58 =	vadd.s32 $0x500, v0  }
0x13c: {  	v4 =	vshll.u32 v4, $0x17;
	v3 =	vadd.f32 $1.000000000e+00, v3  }
0x13d: {  	v4 =	vadd.s32 $0x3F800000, v4  }
0x13e: {  	v3 =	vmul.f32 v4, v3;
	_ =	sdelay $0x1  }
0x13f: {  	[tilespmem:v58+s5+$0x0] =	vst.idx.add.f32.msk $0xffff, v3  }
0x140: {  	v59 =	vld.idx.msk [tilespmem:v58+s5+$0x0], $0xffff;
	_ =	sdelay $0x4  }
0x141: {  	v4 =	vadd.f32 $1.000000020e-16, v59;
	_ =	sdelay $0x1  }
0x142: {  	(erf) = vrcp.f32 v4;
	_ =	sdelay $0x8  }
0x143: {  	v60 =	vpop (erf)  }
0x144: {  	v4 =	vmul.f32 v60, v4;
	_ =	sdelay $0x1  }
0x145: {  	v4 =	vsub.f32 $2.000000000e+00, v4;
	_ =	sdelay $0x1  }
0x146: {  	v4 =	vmul.f32 v4, v60  }
0x147: {  	v61 =	vadd.s32 $0x580, v0  }
0x148: {  	v0 =	vadd.s32 $0x600, v0;
	v3 =	vmul.f32 v3, v4;
	_ =	sdelay $0x1  }
0x149: {  	v4 =	vmul.f32 v3, v5  }
0x14a: {  	v1 =	vmul.f32 v3, v1  }
0x14b: {  	[tilespmem:v61+s5+$0x0] =	vst.idx.add.f32.msk $0xffff, v4  }
0x14c: {  	v62 =	vlaneseq.u32;
	[tilespmem:v0+s5+$0x0] =	vst.idx.add.f32.msk $0xffff, v1  }
0x14d: {  	v0 =	vand.u32 $0x3, v62;
	v1 =	vld [tilespmem:$0xE80]  }
0x14e: {  	v0 =	vmul.u32 $0x80, v0;
	_ =	sdelay $0x1  }
0x14f: {  	v63 =	vbroadcast v2, $0x6;
	_ =	sdelay $0x1  }
0x150: {  	v1 =	vadd.f32 v1, v63  }
0x151: {  	s31 =	simm.s32 $0x1100  }
0x152: {  	[tilespmem:v0+s31+$0x0] =	vst.idx.msk $0xf, v1  }
0x153: {  	v1 =	vld [tilespmem:$0xF00];
	_ =	sdelay $0x1  }
0x154: {  	v0 =	vor.u32 $0x1, v0  }
0x155: {  	v2 =	vbroadcast v2, $0x7;
	_ =	sdelay $0x1  }
0x156: {  	v1 =	vadd.f32 v1, v2;
	_ =	sdelay $0x1  }
0x157: {  	s1 =	sadd.s32 $0x2600, s1;
	[tilespmem:v0+s31+$0x0] =	vst.idx.msk $0xf, v1  }
0x158: {  	[hbm4b:s1+s3] =	stream.linear.scatter [tilespmem:s31], [sflag:$0x1], $0x200, $0x38;
	[tilespmem:$0x1300] =	vst v63  }
0x159: {  	_ =	swait.ge [sflag:s30], $0x200  }
0x15a: {  	[sflag:s30] =	ssyncset.done $0x0  }
0x15b: {  	[sflag:s30] =	ssyncadd.s32 $0xFFFFFE00  }
.LBB2_2:
0x15c: {  	_ =	sfence.sel $0x180000  }
0x15d: {  	[bflag:$0x0] =	sbarrier.arrive $0xFFFF  }
0x15e: {  	_ =	strace $0x90000047  }
0x15f: {  	s0 =	sadd.s32 @!p0 $0x100000, s0;
	[bflag:$0x2] =	sbarrier.arrive $0xFFFF  }
0x160: {  	[sflag:s0] =	ssyncadd.tile.s32 @!p0 $0x1;
	_ =	shalt  }
.Lfunc_end2:
_tile_overlayer_lowered:
.L_overlay_start_2:
0x161: {  	(tag) =	ssettag $0x2  }
0x162: {  	s0 =	rddreg [dreg:$0x0];
	s2 =	stileid.u32  }
0x163: {  	s1 =	rddreg [dreg:$0x1];
	p0 =	sne.s32 s2, $0x0  }
0x164: {  	s3 =	rddreg [dreg:$0x2];
	[bflag:$0x3] =	sbarrier.arrive $0xFFFF;
	s2 =	simm.s32 @!p0 $0x1C01  }
0x165: {  	[timem:s3], [sflag:s2] =	dma.local @!p0 [hbm:s0], s1  }
0x166: {  	s0 =	simm.s32 @!p0 $0x1  }
0x167: {  	_ =	swait.ge @!p0 [sflag:s0], s1  }
0x168: {  	s1 =	ssub.s32 @!p0 $0x0, s1;
	[sflag:s0] =	ssyncset.done @!p0 $0x0  }
0x169: {  	[sflag:s0] =	ssyncadd.s32 @!p0 s1  }
0x16a: {  	[bflag:$0x3] =	sbarrier.arrive $0xFFFF  }
0x16b: {  	_ =	shalt  }

</sc_bundles>
